<compile_context>
chip_gen: v7x
topology: tpu7x:2x2x1
jax: 0.10.2.dev20260603
libtpu: 0.0.44.dev20260713+nightly
codegen_flags: <defaults>
</compile_context>

<pallas_src>
import functools

import jax
import jax.numpy as jnp
from jax import lax
from jax.experimental import pallas as pl
from jax.experimental.pallas import tpu as pltpu
from jax.experimental.pallas import tpu_sc as plsc

NC = 2
NS = 16
NW = NC * NS
LANES = 16
G = 4
NBUF = 2


def _make_sc_partial(N, K, V, VR):
    assert N % G == 0 and K % LANES == 0
    n_groups = N // G
    max_trips = (n_groups + NW - 1) // NW
    assert VR % LANES == 0 and V <= VR * 128

    mesh = plsc.VectorSubcoreMesh(core_axis_name="c", subcore_axis_name="s")

    @functools.partial(
        pl.kernel,
        out_type=jax.ShapeDtypeStruct((NC, VR, 128), jnp.float32),
        mesh=mesh,
        compiler_params=pltpu.CompilerParams(needs_layout_passes=False),
        scratch_types=[
            pltpu.VMEM((NBUF, G, V), jnp.float32),
            pltpu.VMEM((NBUF, G, K), jnp.int32),
            pltpu.VMEM((NBUF, G, K), jnp.float32),
            pltpu.VMEM((VR, 128), jnp.float32),
            pltpu.VMEM((VR,), jnp.int32),
            pltpu.VMEM_SHARED((VR, 128), jnp.float32),
            pltpu.SemaphoreType.DMA((NBUF,)),
        ],
    )
    def sc_partial(input_hbm, idx_hbm, val_hbm, out_hbm,
                   rows_v, idx_v, val_v, acc_v, rid_v, shared_v, sems):
        cid = lax.axis_index("c")
        sid = lax.axis_index("s")
        wid = cid * NS + sid

        def copies(g, b):
            r = g * G
            return (
                pltpu.make_async_copy(input_hbm.at[pl.ds(r, G), :], rows_v.at[b], sems.at[b]),
                pltpu.make_async_copy(idx_hbm.at[pl.ds(r, G), :], idx_v.at[b], sems.at[b]),
                pltpu.make_async_copy(val_hbm.at[pl.ds(r, G), :], val_v.at[b], sems.at[b]),
            )

        def issue(g, b):
            @pl.when(g < n_groups)
            def _():
                for cp in copies(g, b):
                    cp.start()

        for b in range(NBUF):
            issue(wid + b * NW, b)

        zeros = jnp.zeros((LANES,), jnp.float32)
        lanes = lax.iota(jnp.int32, LANES)

        def zero_row(i, _):
            def zb(j, _):
                acc_v[i, pl.ds(j * LANES, LANES)] = zeros
                return _
            return lax.fori_loop(0, 128 // LANES, zb, _)

        lax.fori_loop(0, VR, zero_row, None)

        for t in range(VR // LANES):
            rid_v[pl.ds(t * LANES, LANES)] = t * LANES + lanes

        @pl.when(sid == 0)
        def _():
            pltpu.sync_copy(acc_v, shared_v)

        def process(g, b):
            @pl.when(g < n_groups)
            def _():
                for cp in copies(g, b):
                    cp.wait()
                for s in range(G * K // LANES):
                    rr = s // (K // LANES)
                    q = s % (K // LANES)
                    ii = idx_v[b, rr, pl.ds(q * LANES, LANES)]
                    vv = val_v[b, rr, pl.ds(q * LANES, LANES)]
                    rvec = jnp.full((LANES,), rr, jnp.int32)
                    gg = plsc.load_gather(rows_v.at[b], [rvec, ii])
                    plsc.addupdate_scatter(acc_v, [ii >> 7, ii & 127], gg * vv)

        def trip(t, _):
            for b in range(NBUF):
                g = wid + (t * NBUF + b) * NW
                process(g, b)
                issue(g + NBUF * NW, b)
            return _

        lax.fori_loop(0, (max_trips + NBUF - 1) // NBUF, trip, None)

        plsc.subcore_barrier()
        pltpu.sync_copy(acc_v, shared_v.at[rid_v], add=True)
        plsc.subcore_barrier()

        @pl.when(sid == 0)
        def _():
            pltpu.sync_copy(shared_v, out_hbm.at[cid])

    return sc_partial


def _make_tc_finish(V, VR):
    def body(p_ref, rs_ref, al_ref):
        p = p_ref[...]
        s = jnp.sum(p, axis=0)
        row = lax.broadcasted_iota(jnp.int32, (VR, 128), 0)
        col = lax.broadcasted_iota(jnp.int32, (VR, 128), 1)
        valid = (row * 128 + col) < V
        rs_ref[...] = s
        m = jnp.max(jnp.where(valid, s, -jnp.inf))
        e = jnp.where(valid, jnp.exp(s - m), 0.0)
        al_ref[...] = e / jnp.sum(e)

    return pl.pallas_call(
        body,
        out_shape=(
            jax.ShapeDtypeStruct((VR, 128), jnp.float32),
            jax.ShapeDtypeStruct((VR, 128), jnp.float32),
        ),
    )


def kernel(input_tensor, indices, values):
    N, V = input_tensor.shape
    _, K = indices.shape
    VR = ((V + 127) // 128 + 15) // 16 * 16
    sc_partial = _make_sc_partial(N, K, V, VR)
    tc_finish = _make_tc_finish(V, VR)

    partials = sc_partial(input_tensor, indices, values)
    rs, alpha = tc_finish(partials)
    return alpha.reshape(-1)[:V], rs.reshape(-1)[:V]

# --- scband reference (transcript-rebuilt; emitter-appended) ---
"""Pipeline reference for scband-neighbor-aggregator-46273977647740 (READ-ONLY COPY).

The authoritative reference and input builder live on the scoring server;
editing this copy changes nothing except your own understanding.
"""

import jax, jax.numpy as jnp
import numpy as np

N = 10000
K = 64
V = 10000


def setup_inputs(seed: int = 0) -> dict:
    key = jax.random.key(seed)
    k1, k2, k3 = jax.random.split(key, 3)
    input_tensor = jax.random.normal(k1, (N, V), dtype=jnp.float32)
    indices = jax.random.randint(k2, (N, K), 0, V, dtype=jnp.int32)
    # guarantee every neighbor id in [0, V) appears so n_unique == V (matches torch
    # run with overwhelming probability since N*K >> V)
    nrows = (V + K - 1) // K
    forced = (jnp.arange(nrows * K) % V).reshape(nrows, K).astype(jnp.int32)
    indices = indices.at[:nrows].set(forced)
    values = jax.random.normal(k3, (N, K), dtype=jnp.float32)
    return {"input_tensor": input_tensor, "indices": indices, "values": values}


def reference(input_tensor, indices, values):
    k = K
    idx = indices[:, :k]
    vals = values[:, :k]
    flat_idx = idx.reshape(-1)
    # torch.unique(return_inverse=True): sp_cols are ranks of neighbor ids among
    # sorted unique values. With all V ids present, unique == arange(V).
    uniq, inv = jnp.unique(flat_idx, return_inverse=True, size=V, fill_value=0)
    sp_cols = inv.reshape(-1)
    # sorted cat of k copies of arange(N) == each row id repeated k times,
    # matching row-major flatten order of idx/vals
    sp_rows = jnp.repeat(jnp.arange(idx.shape[0]), k)
    v_flat = vals.reshape(-1).astype(jnp.float32)
    # sparse_dense_mul: elementwise multiply sparse values by gathered dense entries.
    # coalesce-then-multiply equals multiply-then-sum since duplicates share (r, c).
    dv = input_tensor[sp_rows, sp_cols]
    prod = v_flat * dv
    # torch.sparse.sum(dim=0): sum over rows per column -> segment sum over cols
    reduced_sum = jax.ops.segment_sum(prod, sp_cols, num_segments=V)
    alpha = jax.nn.softmax(reduced_sum, axis=0)
    return (alpha, reduced_sum)

if __name__ == "__main__":
    import jax
    _d = setup_inputs()
    print(jax.jit(kernel)(*tuple(_d.values())))

</pallas_src>

<mosaic_0001>
#map = affine_map<(d0, d1) -> (0, 0)>
#map1 = affine_map<(d0, d1) -> (0, 0, 0)>
module attributes {stable_mosaic.version = 14 : i64} {
  func.func @sc_partial(%arg0: i32, %arg1: i32, %arg2: memref<10000x10000xf32, #tpu.memory_space<hbm>>, %arg3: memref<10000x64xi32, #tpu.memory_space<hbm>>, %arg4: memref<10000x64xf32, #tpu.memory_space<hbm>>, %arg5: memref<2x80x128xf32, #tpu.memory_space<hbm>>, %arg6: memref<2x4x10000xf32, #tpu.memory_space<vmem>>, %arg7: memref<2x4x64xi32, #tpu.memory_space<vmem>>, %arg8: memref<2x4x64xf32, #tpu.memory_space<vmem>>, %arg9: memref<80x128xf32, #tpu.memory_space<vmem>>, %arg10: memref<80xi32, #tpu.memory_space<vmem>>, %arg11: memref<80x128xf32, #tpu.memory_space<vmem_shared>>, %arg12: memref<2x!tpu.dma_semaphore, #tpu.memory_space<semaphore_mem>>) attributes {dimension_semantics = [#tpu.dimension_semantics<core_parallel>, #tpu.dimension_semantics<subcore_parallel>], iteration_bounds = array<i64: 2, 16>, scalar_prefetch = 0 : i64, scratch_operands = 7 : i64, tpu.core_type = #tpu.core_type<sc_vector_subcore>, window_params = [{transform_indices = #map}, {transform_indices = #map}, {transform_indices = #map}, {transform_indices = #map1}]} {
    %mul3A = arith.constant 16 : i32
    %mul3A_0 = arith.muli %arg0, %mul3A : i32
    %add3A = arith.addi %mul3A_0, %arg1 : i32
    %add3A_1 = arith.constant 0 : i32
    %add3A_2 = arith.addi %add3A, %add3A_1 : i32
    %lt3A = arith.constant 2500 : i32
    %lt3A_3 = arith.cmpi slt, %add3A_2, %lt3A : i32
    %convert_element_type3A = arith.extui %lt3A_3 : i1 to i32
    %cond3A = arith.constant 0 : i32
    %cond3A_4 = arith.cmpi ne, %convert_element_type3A, %cond3A : i32
    scf.if %cond3A_4 {
      %mul3A_56 = arith.constant 4 : i32
      %mul3A_57 = arith.muli %add3A_2, %mul3A_56 : i32
      %dma_start3A = arith.constant 0 : i32
      %dma_start3A_58 = arith.constant 0 : i32
      %dma_start3A_59 = arith.constant 0 : i32
      %dma_start3A_60 = arith.constant 0 : i32
      %dma_start3A_61 = tpu.memref_slice %arg6[%dma_start3A, %dma_start3A_59, %dma_start3A_60] : memref<2x4x10000xf32, #tpu.memory_space<vmem>> -> memref<1x4x10000xf32, #tpu.memory_space<vmem>>
      %dma_start3A_62 = tpu.memref_squeeze %dma_start3A_61 : memref<1x4x10000xf32, #tpu.memory_space<vmem>> -> memref<4x10000xf32, #tpu.memory_space<vmem>>
      %dma_start3A_63 = arith.constant 0 : i32
      %dma_start3A_64 = tpu.memref_slice %arg2[%mul3A_57, %dma_start3A_63] : memref<10000x10000xf32, #tpu.memory_space<hbm>> -> memref<4x10000xf32, #tpu.memory_space<hbm>>
      %dma_start3A_65 = tpu.memref_slice %arg12[%dma_start3A_58] : memref<2x!tpu.dma_semaphore, #tpu.memory_space<semaphore_mem>> -> memref<1x!tpu.dma_semaphore, #tpu.memory_space<semaphore_mem>>
      %dma_start3A_66 = tpu.memref_squeeze %dma_start3A_65 : memref<1x!tpu.dma_semaphore, #tpu.memory_space<semaphore_mem>> -> memref<!tpu.dma_semaphore, #tpu.memory_space<semaphore_mem>>
      %dma_start3A_67 = arith.constant 0 : i32
      %dma_start3A_68 = arith.constant 0 : i32
      %dma_start3A_69 = tpu.memref_slice %arg6[%dma_start3A, %dma_start3A_67, %dma_start3A_68] : memref<2x4x10000xf32, #tpu.memory_space<vmem>> -> memref<1x4x10000xf32, #tpu.memory_space<vmem>>
      %dma_start3A_70 = tpu.memref_squeeze %dma_start3A_69 : memref<1x4x10000xf32, #tpu.memory_space<vmem>> -> memref<4x10000xf32, #tpu.memory_space<vmem>>
      %dma_start3A_71 = arith.constant 0 : i32
      %dma_start3A_72 = tpu.memref_slice %arg2[%mul3A_57, %dma_start3A_71] : memref<10000x10000xf32, #tpu.memory_space<hbm>> -> memref<4x10000xf32, #tpu.memory_space<hbm>>
      tpu.enqueue_dma source(%dma_start3A_72 : memref<4x10000xf32, #tpu.memory_space<hbm>>) target(%dma_start3A_70 : memref<4x10000xf32, #tpu.memory_space<vmem>>) target_semaphore(%dma_start3A_66 : memref<!tpu.dma_semaphore, #tpu.memory_space<semaphore_mem>>)
      %dma_start3A_73 = arith.constant 0 : i32
      %dma_start3A_74 = arith.constant 0 : i32
      %dma_start3A_75 = arith.constant 0 : i32
      %dma_start3A_76 = arith.constant 0 : i32
      %dma_start3A_77 = tpu.memref_slice %arg7[%dma_start3A_73, %dma_start3A_75, %dma_start3A_76] : memref<2x4x64xi32, #tpu.memory_space<vmem>> -> memref<1x4x64xi32, #tpu.memory_space<vmem>>
      %dma_start3A_78 = tpu.memref_squeeze %dma_start3A_77 : memref<1x4x64xi32, #tpu.memory_space<vmem>> -> memref<4x64xi32, #tpu.memory_space<vmem>>
      %dma_start3A_79 = arith.constant 0 : i32
      %dma_start3A_80 = tpu.memref_slice %arg3[%mul3A_57, %dma_start3A_79] : memref<10000x64xi32, #tpu.memory_space<hbm>> -> memref<4x64xi32, #tpu.memory_space<hbm>>
      %dma_start3A_81 = tpu.memref_slice %arg12[%dma_start3A_74] : memref<2x!tpu.dma_semaphore, #tpu.memory_space<semaphore_mem>> -> memref<1x!tpu.dma_semaphore, #tpu.memory_space<semaphore_mem>>
      %dma_start3A_82 = tpu.memref_squeeze %dma_start3A_81 : memref<1x!tpu.dma_semaphore, #tpu.memory_space<semaphore_mem>> -> memref<!tpu.dma_semaphore, #tpu.memory_space<semaphore_mem>>
      %dma_start3A_83 = arith.constant 0 : i32
      %dma_start3A_84 = arith.constant 0 : i32
      %dma_start3A_85 = tpu.memref_slice %arg7[%dma_start3A_73, %dma_start3A_83, %dma_start3A_84] : memref<2x4x64xi32, #tpu.memory_space<vmem>> -> memref<1x4x64xi32, #tpu.memory_space<vmem>>
      %dma_start3A_86 = tpu.memref_squeeze %dma_start3A_85 : memref<1x4x64xi32, #tpu.memory_space<vmem>> -> memref<4x64xi32, #tpu.memory_space<vmem>>
      %dma_start3A_87 = arith.constant 0 : i32
      %dma_start3A_88 = tpu.memref_slice %arg3[%mul3A_57, %dma_start3A_87] : memref<10000x64xi32, #tpu.memory_space<hbm>> -> memref<4x64xi32, #tpu.memory_space<hbm>>
      tpu.enqueue_dma source(%dma_start3A_88 : memref<4x64xi32, #tpu.memory_space<hbm>>) target(%dma_start3A_86 : memref<4x64xi32, #tpu.memory_space<vmem>>) target_semaphore(%dma_start3A_82 : memref<!tpu.dma_semaphore, #tpu.memory_space<semaphore_mem>>)
      %dma_start3A_89 = arith.constant 0 : i32
      %dma_start3A_90 = arith.constant 0 : i32
      %dma_start3A_91 = arith.constant 0 : i32
      %dma_start3A_92 = arith.constant 0 : i32
      %dma_start3A_93 = tpu.memref_slice %arg8[%dma_start3A_89, %dma_start3A_91, %dma_start3A_92] : memref<2x4x64xf32, #tpu.memory_space<vmem>> -> memref<1x4x64xf32, #tpu.memory_space<vmem>>
      %dma_start3A_94 = tpu.memref_squeeze %dma_start3A_93 : memref<1x4x64xf32, #tpu.memory_space<vmem>> -> memref<4x64xf32, #tpu.memory_space<vmem>>
      %dma_start3A_95 = arith.constant 0 : i32
      %dma_start3A_96 = tpu.memref_slice %arg4[%mul3A_57, %dma_start3A_95] : memref<10000x64xf32, #tpu.memory_space<hbm>> -> memref<4x64xf32, #tpu.memory_space<hbm>>
      %dma_start3A_97 = tpu.memref_slice %arg12[%dma_start3A_90] : memref<2x!tpu.dma_semaphore, #tpu.memory_space<semaphore_mem>> -> memref<1x!tpu.dma_semaphore, #tpu.memory_space<semaphore_mem>>
      %dma_start3A_98 = tpu.memref_squeeze %dma_start3A_97 : memref<1x!tpu.dma_semaphore, #tpu.memory_space<semaphore_mem>> -> memref<!tpu.dma_semaphore, #tpu.memory_space<semaphore_mem>>
      %dma_start3A_99 = arith.constant 0 : i32
      %dma_start3A_100 = arith.constant 0 : i32
      %dma_start3A_101 = tpu.memref_slice %arg8[%dma_start3A_89, %dma_start3A_99, %dma_start3A_100] : memref<2x4x64xf32, #tpu.memory_space<vmem>> -> memref<1x4x64xf32, #tpu.memory_space<vmem>>
      %dma_start3A_102 = tpu.memref_squeeze %dma_start3A_101 : memref<1x4x64xf32, #tpu.memory_space<vmem>> -> memref<4x64xf32, #tpu.memory_space<vmem>>
      %dma_start3A_103 = arith.constant 0 : i32
      %dma_start3A_104 = tpu.memref_slice %arg4[%mul3A_57, %dma_start3A_103] : memref<10000x64xf32, #tpu.memory_space<hbm>> -> memref<4x64xf32, #tpu.memory_space<hbm>>
      tpu.enqueue_dma source(%dma_start3A_104 : memref<4x64xf32, #tpu.memory_space<hbm>>) target(%dma_start3A_102 : memref<4x64xf32, #tpu.memory_space<vmem>>) target_semaphore(%dma_start3A_98 : memref<!tpu.dma_semaphore, #tpu.memory_space<semaphore_mem>>)
    } else {
    }
    %add3A_5 = arith.constant 32 : i32
    %add3A_6 = arith.addi %add3A, %add3A_5 : i32
    %lt3A_7 = arith.constant 2500 : i32
    %lt3A_8 = arith.cmpi slt, %add3A_6, %lt3A_7 : i32
    %convert_element_type3A_9 = arith.extui %lt3A_8 : i1 to i32
    %cond3A_10 = arith.constant 0 : i32
    %cond3A_11 = arith.cmpi ne, %convert_element_type3A_9, %cond3A_10 : i32
    scf.if %cond3A_11 {
      %mul3A_56 = arith.constant 4 : i32
      %mul3A_57 = arith.muli %add3A_6, %mul3A_56 : i32
      %dma_start3A = arith.constant 1 : i32
      %dma_start3A_58 = arith.constant 1 : i32
      %dma_start3A_59 = arith.constant 0 : i32
      %dma_start3A_60 = arith.constant 0 : i32
      %dma_start3A_61 = tpu.memref_slice %arg6[%dma_start3A, %dma_start3A_59, %dma_start3A_60] : memref<2x4x10000xf32, #tpu.memory_space<vmem>> -> memref<1x4x10000xf32, #tpu.memory_space<vmem>>
      %dma_start3A_62 = tpu.memref_squeeze %dma_start3A_61 : memref<1x4x10000xf32, #tpu.memory_space<vmem>> -> memref<4x10000xf32, #tpu.memory_space<vmem>>
      %dma_start3A_63 = arith.constant 0 : i32
      %dma_start3A_64 = tpu.memref_slice %arg2[%mul3A_57, %dma_start3A_63] : memref<10000x10000xf32, #tpu.memory_space<hbm>> -> memref<4x10000xf32, #tpu.memory_space<hbm>>
      %dma_start3A_65 = tpu.memref_slice %arg12[%dma_start3A_58] : memref<2x!tpu.dma_semaphore, #tpu.memory_space<semaphore_mem>> -> memref<1x!tpu.dma_semaphore, #tpu.memory_space<semaphore_mem>>
      %dma_start3A_66 = tpu.memref_squeeze %dma_start3A_65 : memref<1x!tpu.dma_semaphore, #tpu.memory_space<semaphore_mem>> -> memref<!tpu.dma_semaphore, #tpu.memory_space<semaphore_mem>>
      %dma_start3A_67 = arith.constant 0 : i32
      %dma_start3A_68 = arith.constant 0 : i32
      %dma_start3A_69 = tpu.memref_slice %arg6[%dma_start3A, %dma_start3A_67, %dma_start3A_68] : memref<2x4x10000xf32, #tpu.memory_space<vmem>> -> memref<1x4x10000xf32, #tpu.memory_space<vmem>>
      %dma_start3A_70 = tpu.memref_squeeze %dma_start3A_69 : memref<1x4x10000xf32, #tpu.memory_space<vmem>> -> memref<4x10000xf32, #tpu.memory_space<vmem>>
      %dma_start3A_71 = arith.constant 0 : i32
      %dma_start3A_72 = tpu.memref_slice %arg2[%mul3A_57, %dma_start3A_71] : memref<10000x10000xf32, #tpu.memory_space<hbm>> -> memref<4x10000xf32, #tpu.memory_space<hbm>>
      tpu.enqueue_dma source(%dma_start3A_72 : memref<4x10000xf32, #tpu.memory_space<hbm>>) target(%dma_start3A_70 : memref<4x10000xf32, #tpu.memory_space<vmem>>) target_semaphore(%dma_start3A_66 : memref<!tpu.dma_semaphore, #tpu.memory_space<semaphore_mem>>)
      %dma_start3A_73 = arith.constant 1 : i32
      %dma_start3A_74 = arith.constant 1 : i32
      %dma_start3A_75 = arith.constant 0 : i32
      %dma_start3A_76 = arith.constant 0 : i32
      %dma_start3A_77 = tpu.memref_slice %arg7[%dma_start3A_73, %dma_start3A_75, %dma_start3A_76] : memref<2x4x64xi32, #tpu.memory_space<vmem>> -> memref<1x4x64xi32, #tpu.memory_space<vmem>>
      %dma_start3A_78 = tpu.memref_squeeze %dma_start3A_77 : memref<1x4x64xi32, #tpu.memory_space<vmem>> -> memref<4x64xi32, #tpu.memory_space<vmem>>
      %dma_start3A_79 = arith.constant 0 : i32
      %dma_start3A_80 = tpu.memref_slice %arg3[%mul3A_57, %dma_start3A_79] : memref<10000x64xi32, #tpu.memory_space<hbm>> -> memref<4x64xi32, #tpu.memory_space<hbm>>
      %dma_start3A_81 = tpu.memref_slice %arg12[%dma_start3A_74] : memref<2x!tpu.dma_semaphore, #tpu.memory_space<semaphore_mem>> -> memref<1x!tpu.dma_semaphore, #tpu.memory_space<semaphore_mem>>
      %dma_start3A_82 = tpu.memref_squeeze %dma_start3A_81 : memref<1x!tpu.dma_semaphore, #tpu.memory_space<semaphore_mem>> -> memref<!tpu.dma_semaphore, #tpu.memory_space<semaphore_mem>>
      %dma_start3A_83 = arith.constant 0 : i32
      %dma_start3A_84 = arith.constant 0 : i32
      %dma_start3A_85 = tpu.memref_slice %arg7[%dma_start3A_73, %dma_start3A_83, %dma_start3A_84] : memref<2x4x64xi32, #tpu.memory_space<vmem>> -> memref<1x4x64xi32, #tpu.memory_space<vmem>>
      %dma_start3A_86 = tpu.memref_squeeze %dma_start3A_85 : memref<1x4x64xi32, #tpu.memory_space<vmem>> -> memref<4x64xi32, #tpu.memory_space<vmem>>
      %dma_start3A_87 = arith.constant 0 : i32
      %dma_start3A_88 = tpu.memref_slice %arg3[%mul3A_57, %dma_start3A_87] : memref<10000x64xi32, #tpu.memory_space<hbm>> -> memref<4x64xi32, #tpu.memory_space<hbm>>
      tpu.enqueue_dma source(%dma_start3A_88 : memref<4x64xi32, #tpu.memory_space<hbm>>) target(%dma_start3A_86 : memref<4x64xi32, #tpu.memory_space<vmem>>) target_semaphore(%dma_start3A_82 : memref<!tpu.dma_semaphore, #tpu.memory_space<semaphore_mem>>)
      %dma_start3A_89 = arith.constant 1 : i32
      %dma_start3A_90 = arith.constant 1 : i32
      %dma_start3A_91 = arith.constant 0 : i32
      %dma_start3A_92 = arith.constant 0 : i32
      %dma_start3A_93 = tpu.memref_slice %arg8[%dma_start3A_89, %dma_start3A_91, %dma_start3A_92] : memref<2x4x64xf32, #tpu.memory_space<vmem>> -> memref<1x4x64xf32, #tpu.memory_space<vmem>>
      %dma_start3A_94 = tpu.memref_squeeze %dma_start3A_93 : memref<1x4x64xf32, #tpu.memory_space<vmem>> -> memref<4x64xf32, #tpu.memory_space<vmem>>
      %dma_start3A_95 = arith.constant 0 : i32
      %dma_start3A_96 = tpu.memref_slice %arg4[%mul3A_57, %dma_start3A_95] : memref<10000x64xf32, #tpu.memory_space<hbm>> -> memref<4x64xf32, #tpu.memory_space<hbm>>
      %dma_start3A_97 = tpu.memref_slice %arg12[%dma_start3A_90] : memref<2x!tpu.dma_semaphore, #tpu.memory_space<semaphore_mem>> -> memref<1x!tpu.dma_semaphore, #tpu.memory_space<semaphore_mem>>
      %dma_start3A_98 = tpu.memref_squeeze %dma_start3A_97 : memref<1x!tpu.dma_semaphore, #tpu.memory_space<semaphore_mem>> -> memref<!tpu.dma_semaphore, #tpu.memory_space<semaphore_mem>>
      %dma_start3A_99 = arith.constant 0 : i32
      %dma_start3A_100 = arith.constant 0 : i32
      %dma_start3A_101 = tpu.memref_slice %arg8[%dma_start3A_89, %dma_start3A_99, %dma_start3A_100] : memref<2x4x64xf32, #tpu.memory_space<vmem>> -> memref<1x4x64xf32, #tpu.memory_space<vmem>>
      %dma_start3A_102 = tpu.memref_squeeze %dma_start3A_101 : memref<1x4x64xf32, #tpu.memory_space<vmem>> -> memref<4x64xf32, #tpu.memory_space<vmem>>
      %dma_start3A_103 = arith.constant 0 : i32
      %dma_start3A_104 = tpu.memref_slice %arg4[%mul3A_57, %dma_start3A_103] : memref<10000x64xf32, #tpu.memory_space<hbm>> -> memref<4x64xf32, #tpu.memory_space<hbm>>
      tpu.enqueue_dma source(%dma_start3A_104 : memref<4x64xf32, #tpu.memory_space<hbm>>) target(%dma_start3A_102 : memref<4x64xf32, #tpu.memory_space<vmem>>) target_semaphore(%dma_start3A_98 : memref<!tpu.dma_semaphore, #tpu.memory_space<semaphore_mem>>)
    } else {
    }
    %broadcast_in_dim3A = arith.constant 0.000000e+00 : f32
    %broadcast_in_dim3A_12 = vector.broadcast %broadcast_in_dim3A : f32 to vector<16xf32>
    %iota3A = tpu.iota {dimensions = array<i32: 0>} : vector<16xi32>
    %scan3A = arith.constant 0 : i32
    %scan3A_13 = arith.constant 80 : i32
    %scan3A_14 = arith.addi %scan3A, %scan3A_13 : i32
    %scan3A_15 = arith.constant 1 : i32
    scf.for %scan3A_56 = %scan3A to %scan3A_14 step %scan3A_15  : i32 {
      %scan3A_57 = arith.constant 0 : i32
      %scan3A_58 = arith.constant 8 : i32
      %scan3A_59 = arith.addi %scan3A_57, %scan3A_58 : i32
      %scan3A_60 = arith.constant 1 : i32
      scf.for %scan3A_62 = %scan3A_57 to %scan3A_59 step %scan3A_60  : i32 {
        %mul3A_63 = arith.constant 16 : i32
        %mul3A_64 = arith.muli %scan3A_62, %mul3A_63 : i32
        %swap3A_65 = arith.index_cast %scan3A_56 : i32 to index
        %swap3A_66 = arith.index_cast %mul3A_64 : i32 to index
        %swap3A_67 = tpu.vector_load %arg9[%swap3A_65, %swap3A_66] {strides = array<i32>} : memref<80x128xf32, #tpu.memory_space<vmem>>, vector<16xf32>,
        tpu.vector_store %arg9[%swap3A_65, %swap3A_66], %broadcast_in_dim3A_12 {strides = array<i32>} : memref<80x128xf32, #tpu.memory_space<vmem>>, vector<16xf32>,
      }
      %scan3A_61 = arith.constant 8 : i32
    }
    %scan3A_16 = arith.constant 80 : i32
    %add3A_17 = arith.constant 0 : i32
    %add3A_18 = vector.broadcast %add3A_17 : i32 to vector<16xi32>
    %add3A_19 = arith.addi %add3A_18, %iota3A : vector<16xi32>
    %swap3A = arith.constant 0 : index
    %swap3A_20 = tpu.vector_load %arg10[%swap3A] {strides = array<i32>} : memref<80xi32, #tpu.memory_space<vmem>>, vector<16xi32>,
    tpu.vector_store %arg10[%swap3A], %add3A_19 {strides = array<i32>} : memref<80xi32, #tpu.memory_space<vmem>>, vector<16xi32>,
    %add3A_21 = arith.constant 16 : i32
    %add3A_22 = vector.broadcast %add3A_21 : i32 to vector<16xi32>
    %add3A_23 = arith.addi %add3A_22, %iota3A : vector<16xi32>
    %swap3A_24 = arith.constant 16 : index
    %swap3A_25 = tpu.vector_load %arg10[%swap3A_24] {strides = array<i32>} : memref<80xi32, #tpu.memory_space<vmem>>, vector<16xi32>,
    tpu.vector_store %arg10[%swap3A_24], %add3A_23 {strides = array<i32>} : memref<80xi32, #tpu.memory_space<vmem>>, vector<16xi32>,
    %add3A_26 = arith.constant 32 : i32
    %add3A_27 = vector.broadcast %add3A_26 : i32 to vector<16xi32>
    %add3A_28 = arith.addi %add3A_27, %iota3A : vector<16xi32>
    %swap3A_29 = arith.constant 32 : index
    %swap3A_30 = tpu.vector_load %arg10[%swap3A_29] {strides = array<i32>} : memref<80xi32, #tpu.memory_space<vmem>>, vector<16xi32>,
    tpu.vector_store %arg10[%swap3A_29], %add3A_28 {strides = array<i32>} : memref<80xi32, #tpu.memory_space<vmem>>, vector<16xi32>,
    %add3A_31 = arith.constant 48 : i32
    %add3A_32 = vector.broadcast %add3A_31 : i32 to vector<16xi32>
    %add3A_33 = arith.addi %add3A_32, %iota3A : vector<16xi32>
    %swap3A_34 = arith.constant 48 : index
    %swap3A_35 = tpu.vector_load %arg10[%swap3A_34] {strides = array<i32>} : memref<80xi32, #tpu.memory_space<vmem>>, vector<16xi32>,
    tpu.vector_store %arg10[%swap3A_34], %add3A_33 {strides = array<i32>} : memref<80xi32, #tpu.memory_space<vmem>>, vector<16xi32>,
    %add3A_36 = arith.constant 64 : i32
    %add3A_37 = vector.broadcast %add3A_36 : i32 to vector<16xi32>
    %add3A_38 = arith.addi %add3A_37, %iota3A : vector<16xi32>
    %swap3A_39 = arith.constant 64 : index
    %swap3A_40 = tpu.vector_load %arg10[%swap3A_39] {strides = array<i32>} : memref<80xi32, #tpu.memory_space<vmem>>, vector<16xi32>,
    tpu.vector_store %arg10[%swap3A_39], %add3A_38 {strides = array<i32>} : memref<80xi32, #tpu.memory_space<vmem>>, vector<16xi32>,
    %eq3A = arith.constant 0 : i32
    %eq3A_41 = arith.cmpi eq, %arg1, %eq3A : i32
    %convert_element_type3A_42 = arith.extui %eq3A_41 : i1 to i32
    %cond3A_43 = arith.constant 0 : i32
    %cond3A_44 = arith.cmpi ne, %convert_element_type3A_42, %cond3A_43 : i32
    scf.if %cond3A_44 {
      "tpu.region"() ({
        %run_scoped3A = tpu.sem_alloc : memref<!tpu.dma_semaphore, #tpu.memory_space<semaphore_mem>>
        tpu.enqueue_dma source(%arg9 : memref<80x128xf32, #tpu.memory_space<vmem>>) target(%arg11 : memref<80x128xf32, #tpu.memory_space<vmem_shared>>) target_semaphore(%run_scoped3A : memref<!tpu.dma_semaphore, #tpu.memory_space<semaphore_mem>>)
        tpu.wait_dma2 semaphore(%run_scoped3A : memref<!tpu.dma_semaphore, #tpu.memory_space<semaphore_mem>>) src(%arg9 : memref<80x128xf32, #tpu.memory_space<vmem>>) dst(%arg11 : memref<80x128xf32, #tpu.memory_space<vmem_shared>>)
        tpu.yield
      }) : () -> ()
    } else {
    }
    %scan3A_45 = arith.constant 0 : i32
    %scan3A_46 = arith.constant 40 : i32
    %scan3A_47 = arith.addi %scan3A_45, %scan3A_46 : i32
    %scan3A_48 = arith.constant 1 : i32
    scf.for %scan3A_56 = %scan3A_45 to %scan3A_47 step %scan3A_48  : i32 {
      %mul3A_57 = arith.constant 2 : i32
      %mul3A_58 = arith.muli %scan3A_56, %mul3A_57 : i32
      %add3A_59 = arith.constant 0 : i32
      %add3A_60 = arith.addi %mul3A_58, %add3A_59 : i32
      %mul3A_61 = arith.constant 32 : i32
      %mul3A_62 = arith.muli %add3A_60, %mul3A_61 : i32
      %add3A_63 = arith.addi %add3A, %mul3A_62 : i32
      %lt3A_64 = arith.constant 2500 : i32
      %lt3A_65 = arith.cmpi slt, %add3A_63, %lt3A_64 : i32
      %convert_element_type3A_66 = arith.extui %lt3A_65 : i1 to i32
      %cond3A_67 = arith.constant 0 : i32
      %cond3A_68 = arith.cmpi ne, %convert_element_type3A_66, %cond3A_67 : i32
      scf.if %cond3A_68 {
        %mul3A_95 = arith.constant 4 : i32
        %mul3A_96 = arith.muli %add3A_63, %mul3A_95 : i32
        %dma_wait3A = arith.constant 0 : i32
        %dma_wait3A_97 = arith.constant 0 : i32
        %dma_wait3A_98 = arith.constant 0 : i32
        %dma_wait3A_99 = arith.constant 0 : i32
        %dma_wait3A_100 = tpu.memref_slice %arg6[%dma_wait3A, %dma_wait3A_98, %dma_wait3A_99] : memref<2x4x10000xf32, #tpu.memory_space<vmem>> -> memref<1x4x10000xf32, #tpu.memory_space<vmem>>
        %dma_wait3A_101 = tpu.memref_squeeze %dma_wait3A_100 : memref<1x4x10000xf32, #tpu.memory_space<vmem>> -> memref<4x10000xf32, #tpu.memory_space<vmem>>
        %dma_wait3A_102 = arith.constant 0 : i32
        %dma_wait3A_103 = tpu.memref_slice %arg2[%mul3A_96, %dma_wait3A_102] : memref<10000x10000xf32, #tpu.memory_space<hbm>> -> memref<4x10000xf32, #tpu.memory_space<hbm>>
        %dma_wait3A_104 = tpu.memref_slice %arg12[%dma_wait3A_97] : memref<2x!tpu.dma_semaphore, #tpu.memory_space<semaphore_mem>> -> memref<1x!tpu.dma_semaphore, #tpu.memory_space<semaphore_mem>>
        %dma_wait3A_105 = tpu.memref_squeeze %dma_wait3A_104 : memref<1x!tpu.dma_semaphore, #tpu.memory_space<semaphore_mem>> -> memref<!tpu.dma_semaphore, #tpu.memory_space<semaphore_mem>>
        %dma_wait3A_106 = arith.constant 0 : i32
        %dma_wait3A_107 = arith.constant 0 : i32
        %dma_wait3A_108 = tpu.memref_slice %arg6[%dma_wait3A, %dma_wait3A_106, %dma_wait3A_107] : memref<2x4x10000xf32, #tpu.memory_space<vmem>> -> memref<1x4x10000xf32, #tpu.memory_space<vmem>>
        %dma_wait3A_109 = tpu.memref_squeeze %dma_wait3A_108 : memref<1x4x10000xf32, #tpu.memory_space<vmem>> -> memref<4x10000xf32, #tpu.memory_space<vmem>>
        %dma_wait3A_110 = arith.constant 0 : i32
        %dma_wait3A_111 = tpu.memref_slice %arg2[%mul3A_96, %dma_wait3A_110] : memref<10000x10000xf32, #tpu.memory_space<hbm>> -> memref<4x10000xf32, #tpu.memory_space<hbm>>
        tpu.wait_dma2 semaphore(%dma_wait3A_105 : memref<!tpu.dma_semaphore, #tpu.memory_space<semaphore_mem>>) src(%dma_wait3A_111 : memref<4x10000xf32, #tpu.memory_space<hbm>>) dst(%dma_wait3A_109 : memref<4x10000xf32, #tpu.memory_space<vmem>>)
        %dma_wait3A_112 = arith.constant 0 : i32
        %dma_wait3A_113 = arith.constant 0 : i32
        %dma_wait3A_114 = arith.constant 0 : i32
        %dma_wait3A_115 = arith.constant 0 : i32
        %dma_wait3A_116 = tpu.memref_slice %arg7[%dma_wait3A_112, %dma_wait3A_114, %dma_wait3A_115] : memref<2x4x64xi32, #tpu.memory_space<vmem>> -> memref<1x4x64xi32, #tpu.memory_space<vmem>>
        %dma_wait3A_117 = tpu.memref_squeeze %dma_wait3A_116 : memref<1x4x64xi32, #tpu.memory_space<vmem>> -> memref<4x64xi32, #tpu.memory_space<vmem>>
        %dma_wait3A_118 = arith.constant 0 : i32
        %dma_wait3A_119 = tpu.memref_slice %arg3[%mul3A_96, %dma_wait3A_118] : memref<10000x64xi32, #tpu.memory_space<hbm>> -> memref<4x64xi32, #tpu.memory_space<hbm>>
        %dma_wait3A_120 = tpu.memref_slice %arg12[%dma_wait3A_113] : memref<2x!tpu.dma_semaphore, #tpu.memory_space<semaphore_mem>> -> memref<1x!tpu.dma_semaphore, #tpu.memory_space<semaphore_mem>>
        %dma_wait3A_121 = tpu.memref_squeeze %dma_wait3A_120 : memref<1x!tpu.dma_semaphore, #tpu.memory_space<semaphore_mem>> -> memref<!tpu.dma_semaphore, #tpu.memory_space<semaphore_mem>>
        %dma_wait3A_122 = arith.constant 0 : i32
        %dma_wait3A_123 = arith.constant 0 : i32
        %dma_wait3A_124 = tpu.memref_slice %arg7[%dma_wait3A_112, %dma_wait3A_122, %dma_wait3A_123] : memref<2x4x64xi32, #tpu.memory_space<vmem>> -> memref<1x4x64xi32, #tpu.memory_space<vmem>>
        %dma_wait3A_125 = tpu.memref_squeeze %dma_wait3A_124 : memref<1x4x64xi32, #tpu.memory_space<vmem>> -> memref<4x64xi32, #tpu.memory_space<vmem>>
        %dma_wait3A_126 = arith.constant 0 : i32
        %dma_wait3A_127 = tpu.memref_slice %arg3[%mul3A_96, %dma_wait3A_126] : memref<10000x64xi32, #tpu.memory_space<hbm>> -> memref<4x64xi32, #tpu.memory_space<hbm>>
        tpu.wait_dma2 semaphore(%dma_wait3A_121 : memref<!tpu.dma_semaphore, #tpu.memory_space<semaphore_mem>>) src(%dma_wait3A_127 : memref<4x64xi32, #tpu.memory_space<hbm>>) dst(%dma_wait3A_125 : memref<4x64xi32, #tpu.memory_space<vmem>>)
        %dma_wait3A_128 = arith.constant 0 : i32
        %dma_wait3A_129 = arith.constant 0 : i32
        %dma_wait3A_130 = arith.constant 0 : i32
        %dma_wait3A_131 = arith.constant 0 : i32
        %dma_wait3A_132 = tpu.memref_slice %arg8[%dma_wait3A_128, %dma_wait3A_130, %dma_wait3A_131] : memref<2x4x64xf32, #tpu.memory_space<vmem>> -> memref<1x4x64xf32, #tpu.memory_space<vmem>>
        %dma_wait3A_133 = tpu.memref_squeeze %dma_wait3A_132 : memref<1x4x64xf32, #tpu.memory_space<vmem>> -> memref<4x64xf32, #tpu.memory_space<vmem>>
        %dma_wait3A_134 = arith.constant 0 : i32
        %dma_wait3A_135 = tpu.memref_slice %arg4[%mul3A_96, %dma_wait3A_134] : memref<10000x64xf32, #tpu.memory_space<hbm>> -> memref<4x64xf32, #tpu.memory_space<hbm>>
        %dma_wait3A_136 = tpu.memref_slice %arg12[%dma_wait3A_129] : memref<2x!tpu.dma_semaphore, #tpu.memory_space<semaphore_mem>> -> memref<1x!tpu.dma_semaphore, #tpu.memory_space<semaphore_mem>>
        %dma_wait3A_137 = tpu.memref_squeeze %dma_wait3A_136 : memref<1x!tpu.dma_semaphore, #tpu.memory_space<semaphore_mem>> -> memref<!tpu.dma_semaphore, #tpu.memory_space<semaphore_mem>>
        %dma_wait3A_138 = arith.constant 0 : i32
        %dma_wait3A_139 = arith.constant 0 : i32
        %dma_wait3A_140 = tpu.memref_slice %arg8[%dma_wait3A_128, %dma_wait3A_138, %dma_wait3A_139] : memref<2x4x64xf32, #tpu.memory_space<vmem>> -> memref<1x4x64xf32, #tpu.memory_space<vmem>>
        %dma_wait3A_141 = tpu.memref_squeeze %dma_wait3A_140 : memref<1x4x64xf32, #tpu.memory_space<vmem>> -> memref<4x64xf32, #tpu.memory_space<vmem>>
        %dma_wait3A_142 = arith.constant 0 : i32
        %dma_wait3A_143 = tpu.memref_slice %arg4[%mul3A_96, %dma_wait3A_142] : memref<10000x64xf32, #tpu.memory_space<hbm>> -> memref<4x64xf32, #tpu.memory_space<hbm>>
        tpu.wait_dma2 semaphore(%dma_wait3A_137 : memref<!tpu.dma_semaphore, #tpu.memory_space<semaphore_mem>>) src(%dma_wait3A_143 : memref<4x64xf32, #tpu.memory_space<hbm>>) dst(%dma_wait3A_141 : memref<4x64xf32, #tpu.memory_space<vmem>>)
        %get3A = arith.constant 0 : i32
        %get3A_144 = arith.constant 0 : i32
        %get3A_145 = arith.index_cast %get3A : i32 to index
        %get3A_146 = arith.index_cast %get3A_144 : i32 to index
        %get3A_147 = arith.constant 0 : index
        %get3A_148 = tpu.vector_load %arg7[%get3A_145, %get3A_146, %get3A_147] {strides = array<i32>} : memref<2x4x64xi32, #tpu.memory_space<vmem>>, vector<16xi32>,
        %get3A_149 = arith.constant 0 : i32
        %get3A_150 = arith.constant 0 : i32
        %get3A_151 = arith.index_cast %get3A_149 : i32 to index
        %get3A_152 = arith.index_cast %get3A_150 : i32 to index
        %get3A_153 = arith.constant 0 : index
        %get3A_154 = tpu.vector_load %arg8[%get3A_151, %get3A_152, %get3A_153] {strides = array<i32>} : memref<2x4x64xf32, #tpu.memory_space<vmem>>, vector<16xf32>,
        %broadcast_in_dim3A_155 = arith.constant 0 : i32
        %broadcast_in_dim3A_156 = vector.broadcast %broadcast_in_dim3A_155 : i32 to vector<16xi32>
        %gather3A = arith.constant 0 : i32
        %gather3A_157 = arith.constant 0 : i32
        %gather3A_158 = arith.constant 0 : i32
        %gather3A_159 = tpu.memref_slice %arg6[%gather3A, %gather3A_157, %gather3A_158] : memref<2x4x10000xf32, #tpu.memory_space<vmem>> -> memref<1x4x10000xf32, #tpu.memory_space<vmem>>
        %gather3A_160 = tpu.memref_squeeze %gather3A_159 : memref<1x4x10000xf32, #tpu.memory_space<vmem>> -> memref<4x10000xf32, #tpu.memory_space<vmem>>
        %gather3A_161 = tpu.vector_load_idx %gather3A_160[%broadcast_in_dim3A_156, %get3A_148] : memref<4x10000xf32, #tpu.memory_space<vmem>>[vector<16xi32>, vector<16xi32>], vector<16xf32>,
        %shift_right_arithmetic3A = arith.constant 7 : i32
        %shift_right_arithmetic3A_162 = vector.broadcast %shift_right_arithmetic3A : i32 to vector<16xi32>
        %shift_right_arithmetic3A_163 = arith.shrsi %get3A_148, %shift_right_arithmetic3A_162 : vector<16xi32>
        %and3A = arith.constant 127 : i32
        %and3A_164 = vector.broadcast %and3A : i32 to vector<16xi32>
        %and3A_165 = arith.andi %get3A_148, %and3A_164 : vector<16xi32>
        %mul3A_166 = arith.mulf %gather3A_161, %get3A_154 : vector<16xf32>
        tpu.vector_store_idx %arg9[%shift_right_arithmetic3A_163, %and3A_165], %mul3A_166 {add = true} : memref<80x128xf32, #tpu.memory_space<vmem>>[vector<16xi32>, vector<16xi32>], vector<16xf32>,
        %get3A_167 = arith.constant 0 : i32
        %get3A_168 = arith.constant 0 : i32
        %get3A_169 = arith.index_cast %get3A_167 : i32 to index
        %get3A_170 = arith.index_cast %get3A_168 : i32 to index
        %get3A_171 = arith.constant 16 : index
        %get3A_172 = tpu.vector_load %arg7[%get3A_169, %get3A_170, %get3A_171] {strides = array<i32>} : memref<2x4x64xi32, #tpu.memory_space<vmem>>, vector<16xi32>,
        %get3A_173 = arith.constant 0 : i32
        %get3A_174 = arith.constant 0 : i32
        %get3A_175 = arith.index_cast %get3A_173 : i32 to index
        %get3A_176 = arith.index_cast %get3A_174 : i32 to index
        %get3A_177 = arith.constant 16 : index
        %get3A_178 = tpu.vector_load %arg8[%get3A_175, %get3A_176, %get3A_177] {strides = array<i32>} : memref<2x4x64xf32, #tpu.memory_space<vmem>>, vector<16xf32>,
        %broadcast_in_dim3A_179 = arith.constant 0 : i32
        %broadcast_in_dim3A_180 = vector.broadcast %broadcast_in_dim3A_179 : i32 to vector<16xi32>
        %gather3A_181 = arith.constant 0 : i32
        %gather3A_182 = arith.constant 0 : i32
        %gather3A_183 = arith.constant 0 : i32
        %gather3A_184 = tpu.memref_slice %arg6[%gather3A_181, %gather3A_182, %gather3A_183] : memref<2x4x10000xf32, #tpu.memory_space<vmem>> -> memref<1x4x10000xf32, #tpu.memory_space<vmem>>
        %gather3A_185 = tpu.memref_squeeze %gather3A_184 : memref<1x4x10000xf32, #tpu.memory_space<vmem>> -> memref<4x10000xf32, #tpu.memory_space<vmem>>
        %gather3A_186 = tpu.vector_load_idx %gather3A_185[%broadcast_in_dim3A_180, %get3A_172] : memref<4x10000xf32, #tpu.memory_space<vmem>>[vector<16xi32>, vector<16xi32>], vector<16xf32>,
        %shift_right_arithmetic3A_187 = arith.constant 7 : i32
        %shift_right_arithmetic3A_188 = vector.broadcast %shift_right_arithmetic3A_187 : i32 to vector<16xi32>
        %shift_right_arithmetic3A_189 = arith.shrsi %get3A_172, %shift_right_arithmetic3A_188 : vector<16xi32>
        %and3A_190 = arith.constant 127 : i32
        %and3A_191 = vector.broadcast %and3A_190 : i32 to vector<16xi32>
        %and3A_192 = arith.andi %get3A_172, %and3A_191 : vector<16xi32>
        %mul3A_193 = arith.mulf %gather3A_186, %get3A_178 : vector<16xf32>
        tpu.vector_store_idx %arg9[%shift_right_arithmetic3A_189, %and3A_192], %mul3A_193 {add = true} : memref<80x128xf32, #tpu.memory_space<vmem>>[vector<16xi32>, vector<16xi32>], vector<16xf32>,
        %get3A_194 = arith.constant 0 : i32
        %get3A_195 = arith.constant 0 : i32
        %get3A_196 = arith.index_cast %get3A_194 : i32 to index
        %get3A_197 = arith.index_cast %get3A_195 : i32 to index
        %get3A_198 = arith.constant 32 : index
        %get3A_199 = tpu.vector_load %arg7[%get3A_196, %get3A_197, %get3A_198] {strides = array<i32>} : memref<2x4x64xi32, #tpu.memory_space<vmem>>, vector<16xi32>,
        %get3A_200 = arith.constant 0 : i32
        %get3A_201 = arith.constant 0 : i32
        %get3A_202 = arith.index_cast %get3A_200 : i32 to index
        %get3A_203 = arith.index_cast %get3A_201 : i32 to index
        %get3A_204 = arith.constant 32 : index
        %get3A_205 = tpu.vector_load %arg8[%get3A_202, %get3A_203, %get3A_204] {strides = array<i32>} : memref<2x4x64xf32, #tpu.memory_space<vmem>>, vector<16xf32>,
        %broadcast_in_dim3A_206 = arith.constant 0 : i32
        %broadcast_in_dim3A_207 = vector.broadcast %broadcast_in_dim3A_206 : i32 to vector<16xi32>
        %gather3A_208 = arith.constant 0 : i32
        %gather3A_209 = arith.constant 0 : i32
        %gather3A_210 = arith.constant 0 : i32
        %gather3A_211 = tpu.memref_slice %arg6[%gather3A_208, %gather3A_209, %gather3A_210] : memref<2x4x10000xf32, #tpu.memory_space<vmem>> -> memref<1x4x10000xf32, #tpu.memory_space<vmem>>
        %gather3A_212 = tpu.memref_squeeze %gather3A_211 : memref<1x4x10000xf32, #tpu.memory_space<vmem>> -> memref<4x10000xf32, #tpu.memory_space<vmem>>
        %gather3A_213 = tpu.vector_load_idx %gather3A_212[%broadcast_in_dim3A_207, %get3A_199] : memref<4x10000xf32, #tpu.memory_space<vmem>>[vector<16xi32>, vector<16xi32>], vector<16xf32>,
        %shift_right_arithmetic3A_214 = arith.constant 7 : i32
        %shift_right_arithmetic3A_215 = vector.broadcast %shift_right_arithmetic3A_214 : i32 to vector<16xi32>
        %shift_right_arithmetic3A_216 = arith.shrsi %get3A_199, %shift_right_arithmetic3A_215 : vector<16xi32>
        %and3A_217 = arith.constant 127 : i32
        %and3A_218 = vector.broadcast %and3A_217 : i32 to vector<16xi32>
        %and3A_219 = arith.andi %get3A_199, %and3A_218 : vector<16xi32>
        %mul3A_220 = arith.mulf %gather3A_213, %get3A_205 : vector<16xf32>
        tpu.vector_store_idx %arg9[%shift_right_arithmetic3A_216, %and3A_219], %mul3A_220 {add = true} : memref<80x128xf32, #tpu.memory_space<vmem>>[vector<16xi32>, vector<16xi32>], vector<16xf32>,
        %get3A_221 = arith.constant 0 : i32
        %get3A_222 = arith.constant 0 : i32
        %get3A_223 = arith.index_cast %get3A_221 : i32 to index
        %get3A_224 = arith.index_cast %get3A_222 : i32 to index
        %get3A_225 = arith.constant 48 : index
        %get3A_226 = tpu.vector_load %arg7[%get3A_223, %get3A_224, %get3A_225] {strides = array<i32>} : memref<2x4x64xi32, #tpu.memory_space<vmem>>, vector<16xi32>,
        %get3A_227 = arith.constant 0 : i32
        %get3A_228 = arith.constant 0 : i32
        %get3A_229 = arith.index_cast %get3A_227 : i32 to index
        %get3A_230 = arith.index_cast %get3A_228 : i32 to index
        %get3A_231 = arith.constant 48 : index
        %get3A_232 = tpu.vector_load %arg8[%get3A_229, %get3A_230, %get3A_231] {strides = array<i32>} : memref<2x4x64xf32, #tpu.memory_space<vmem>>, vector<16xf32>,
        %broadcast_in_dim3A_233 = arith.constant 0 : i32
        %broadcast_in_dim3A_234 = vector.broadcast %broadcast_in_dim3A_233 : i32 to vector<16xi32>
        %gather3A_235 = arith.constant 0 : i32
        %gather3A_236 = arith.constant 0 : i32
        %gather3A_237 = arith.constant 0 : i32
        %gather3A_238 = tpu.memref_slice %arg6[%gather3A_235, %gather3A_236, %gather3A_237] : memref<2x4x10000xf32, #tpu.memory_space<vmem>> -> memref<1x4x10000xf32, #tpu.memory_space<vmem>>
        %gather3A_239 = tpu.memref_squeeze %gather3A_238 : memref<1x4x10000xf32, #tpu.memory_space<vmem>> -> memref<4x10000xf32, #tpu.memory_space<vmem>>
        %gather3A_240 = tpu.vector_load_idx %gather3A_239[%broadcast_in_dim3A_234, %get3A_226] : memref<4x10000xf32, #tpu.memory_space<vmem>>[vector<16xi32>, vector<16xi32>], vector<16xf32>,
        %shift_right_arithmetic3A_241 = arith.constant 7 : i32
        %shift_right_arithmetic3A_242 = vector.broadcast %shift_right_arithmetic3A_241 : i32 to vector<16xi32>
        %shift_right_arithmetic3A_243 = arith.shrsi %get3A_226, %shift_right_arithmetic3A_242 : vector<16xi32>
        %and3A_244 = arith.constant 127 : i32
        %and3A_245 = vector.broadcast %and3A_244 : i32 to vector<16xi32>
        %and3A_246 = arith.andi %get3A_226, %and3A_245 : vector<16xi32>
        %mul3A_247 = arith.mulf %gather3A_240, %get3A_232 : vector<16xf32>
        tpu.vector_store_idx %arg9[%shift_right_arithmetic3A_243, %and3A_246], %mul3A_247 {add = true} : memref<80x128xf32, #tpu.memory_space<vmem>>[vector<16xi32>, vector<16xi32>], vector<16xf32>,
        %get3A_248 = arith.constant 0 : i32
        %get3A_249 = arith.constant 1 : i32
        %get3A_250 = arith.index_cast %get3A_248 : i32 to index
        %get3A_251 = arith.index_cast %get3A_249 : i32 to index
        %get3A_252 = arith.constant 0 : index
        %get3A_253 = tpu.vector_load %arg7[%get3A_250, %get3A_251, %get3A_252] {strides = array<i32>} : memref<2x4x64xi32, #tpu.memory_space<vmem>>, vector<16xi32>,
        %get3A_254 = arith.constant 0 : i32
        %get3A_255 = arith.constant 1 : i32
        %get3A_256 = arith.index_cast %get3A_254 : i32 to index
        %get3A_257 = arith.index_cast %get3A_255 : i32 to index
        %get3A_258 = arith.constant 0 : index
        %get3A_259 = tpu.vector_load %arg8[%get3A_256, %get3A_257, %get3A_258] {strides = array<i32>} : memref<2x4x64xf32, #tpu.memory_space<vmem>>, vector<16xf32>,
        %broadcast_in_dim3A_260 = arith.constant 1 : i32
        %broadcast_in_dim3A_261 = vector.broadcast %broadcast_in_dim3A_260 : i32 to vector<16xi32>
        %gather3A_262 = arith.constant 0 : i32
        %gather3A_263 = arith.constant 0 : i32
        %gather3A_264 = arith.constant 0 : i32
        %gather3A_265 = tpu.memref_slice %arg6[%gather3A_262, %gather3A_263, %gather3A_264] : memref<2x4x10000xf32, #tpu.memory_space<vmem>> -> memref<1x4x10000xf32, #tpu.memory_space<vmem>>
        %gather3A_266 = tpu.memref_squeeze %gather3A_265 : memref<1x4x10000xf32, #tpu.memory_space<vmem>> -> memref<4x10000xf32, #tpu.memory_space<vmem>>
        %gather3A_267 = tpu.vector_load_idx %gather3A_266[%broadcast_in_dim3A_261, %get3A_253] : memref<4x10000xf32, #tpu.memory_space<vmem>>[vector<16xi32>, vector<16xi32>], vector<16xf32>,
        %shift_right_arithmetic3A_268 = arith.constant 7 : i32
        %shift_right_arithmetic3A_269 = vector.broadcast %shift_right_arithmetic3A_268 : i32 to vector<16xi32>
        %shift_right_arithmetic3A_270 = arith.shrsi %get3A_253, %shift_right_arithmetic3A_269 : vector<16xi32>
        %and3A_271 = arith.constant 127 : i32
        %and3A_272 = vector.broadcast %and3A_271 : i32 to vector<16xi32>
        %and3A_273 = arith.andi %get3A_253, %and3A_272 : vector<16xi32>
        %mul3A_274 = arith.mulf %gather3A_267, %get3A_259 : vector<16xf32>
        tpu.vector_store_idx %arg9[%shift_right_arithmetic3A_270, %and3A_273], %mul3A_274 {add = true} : memref<80x128xf32, #tpu.memory_space<vmem>>[vector<16xi32>, vector<16xi32>], vector<16xf32>,
        %get3A_275 = arith.constant 0 : i32
        %get3A_276 = arith.constant 1 : i32
        %get3A_277 = arith.index_cast %get3A_275 : i32 to index
        %get3A_278 = arith.index_cast %get3A_276 : i32 to index
        %get3A_279 = arith.constant 16 : index
        %get3A_280 = tpu.vector_load %arg7[%get3A_277, %get3A_278, %get3A_279] {strides = array<i32>} : memref<2x4x64xi32, #tpu.memory_space<vmem>>, vector<16xi32>,
        %get3A_281 = arith.constant 0 : i32
        %get3A_282 = arith.constant 1 : i32
        %get3A_283 = arith.index_cast %get3A_281 : i32 to index
        %get3A_284 = arith.index_cast %get3A_282 : i32 to index
        %get3A_285 = arith.constant 16 : index
        %get3A_286 = tpu.vector_load %arg8[%get3A_283, %get3A_284, %get3A_285] {strides = array<i32>} : memref<2x4x64xf32, #tpu.memory_space<vmem>>, vector<16xf32>,
        %broadcast_in_dim3A_287 = arith.constant 1 : i32
        %broadcast_in_dim3A_288 = vector.broadcast %broadcast_in_dim3A_287 : i32 to vector<16xi32>
        %gather3A_289 = arith.constant 0 : i32
        %gather3A_290 = arith.constant 0 : i32
        %gather3A_291 = arith.constant 0 : i32
        %gather3A_292 = tpu.memref_slice %arg6[%gather3A_289, %gather3A_290, %gather3A_291] : memref<2x4x10000xf32, #tpu.memory_space<vmem>> -> memref<1x4x10000xf32, #tpu.memory_space<vmem>>
        %gather3A_293 = tpu.memref_squeeze %gather3A_292 : memref<1x4x10000xf32, #tpu.memory_space<vmem>> -> memref<4x10000xf32, #tpu.memory_space<vmem>>
        %gather3A_294 = tpu.vector_load_idx %gather3A_293[%broadcast_in_dim3A_288, %get3A_280] : memref<4x10000xf32, #tpu.memory_space<vmem>>[vector<16xi32>, vector<16xi32>], vector<16xf32>,
        %shift_right_arithmetic3A_295 = arith.constant 7 : i32
        %shift_right_arithmetic3A_296 = vector.broadcast %shift_right_arithmetic3A_295 : i32 to vector<16xi32>
        %shift_right_arithmetic3A_297 = arith.shrsi %get3A_280, %shift_right_arithmetic3A_296 : vector<16xi32>
        %and3A_298 = arith.constant 127 : i32
        %and3A_299 = vector.broadcast %and3A_298 : i32 to vector<16xi32>
        %and3A_300 = arith.andi %get3A_280, %and3A_299 : vector<16xi32>
        %mul3A_301 = arith.mulf %gather3A_294, %get3A_286 : vector<16xf32>
        tpu.vector_store_idx %arg9[%shift_right_arithmetic3A_297, %and3A_300], %mul3A_301 {add = true} : memref<80x128xf32, #tpu.memory_space<vmem>>[vector<16xi32>, vector<16xi32>], vector<16xf32>,
        %get3A_302 = arith.constant 0 : i32
        %get3A_303 = arith.constant 1 : i32
        %get3A_304 = arith.index_cast %get3A_302 : i32 to index
        %get3A_305 = arith.index_cast %get3A_303 : i32 to index
        %get3A_306 = arith.constant 32 : index
        %get3A_307 = tpu.vector_load %arg7[%get3A_304, %get3A_305, %get3A_306] {strides = array<i32>} : memref<2x4x64xi32, #tpu.memory_space<vmem>>, vector<16xi32>,
        %get3A_308 = arith.constant 0 : i32
        %get3A_309 = arith.constant 1 : i32
        %get3A_310 = arith.index_cast %get3A_308 : i32 to index
        %get3A_311 = arith.index_cast %get3A_309 : i32 to index
        %get3A_312 = arith.constant 32 : index
        %get3A_313 = tpu.vector_load %arg8[%get3A_310, %get3A_311, %get3A_312] {strides = array<i32>} : memref<2x4x64xf32, #tpu.memory_space<vmem>>, vector<16xf32>,
        %broadcast_in_dim3A_314 = arith.constant 1 : i32
        %broadcast_in_dim3A_315 = vector.broadcast %broadcast_in_dim3A_314 : i32 to vector<16xi32>
        %gather3A_316 = arith.constant 0 : i32
        %gather3A_317 = arith.constant 0 : i32
        %gather3A_318 = arith.constant 0 : i32
        %gather3A_319 = tpu.memref_slice %arg6[%gather3A_316, %gather3A_317, %gather3A_318] : memref<2x4x10000xf32, #tpu.memory_space<vmem>> -> memref<1x4x10000xf32, #tpu.memory_space<vmem>>
        %gather3A_320 = tpu.memref_squeeze %gather3A_319 : memref<1x4x10000xf32, #tpu.memory_space<vmem>> -> memref<4x10000xf32, #tpu.memory_space<vmem>>
        %gather3A_321 = tpu.vector_load_idx %gather3A_320[%broadcast_in_dim3A_315, %get3A_307] : memref<4x10000xf32, #tpu.memory_space<vmem>>[vector<16xi32>, vector<16xi32>], vector<16xf32>,
        %shift_right_arithmetic3A_322 = arith.constant 7 : i32
        %shift_right_arithmetic3A_323 = vector.broadcast %shift_right_arithmetic3A_322 : i32 to vector<16xi32>
        %shift_right_arithmetic3A_324 = arith.shrsi %get3A_307, %shift_right_arithmetic3A_323 : vector<16xi32>
        %and3A_325 = arith.constant 127 : i32
        %and3A_326 = vector.broadcast %and3A_325 : i32 to vector<16xi32>
        %and3A_327 = arith.andi %get3A_307, %and3A_326 : vector<16xi32>
        %mul3A_328 = arith.mulf %gather3A_321, %get3A_313 : vector<16xf32>
        tpu.vector_store_idx %arg9[%shift_right_arithmetic3A_324, %and3A_327], %mul3A_328 {add = true} : memref<80x128xf32, #tpu.memory_space<vmem>>[vector<16xi32>, vector<16xi32>], vector<16xf32>,
        %get3A_329 = arith.constant 0 : i32
        %get3A_330 = arith.constant 1 : i32
        %get3A_331 = arith.index_cast %get3A_329 : i32 to index
        %get3A_332 = arith.index_cast %get3A_330 : i32 to index
        %get3A_333 = arith.constant 48 : index
        %get3A_334 = tpu.vector_load %arg7[%get3A_331, %get3A_332, %get3A_333] {strides = array<i32>} : memref<2x4x64xi32, #tpu.memory_space<vmem>>, vector<16xi32>,
        %get3A_335 = arith.constant 0 : i32
        %get3A_336 = arith.constant 1 : i32
        %get3A_337 = arith.index_cast %get3A_335 : i32 to index
        %get3A_338 = arith.index_cast %get3A_336 : i32 to index
        %get3A_339 = arith.constant 48 : index
        %get3A_340 = tpu.vector_load %arg8[%get3A_337, %get3A_338, %get3A_339] {strides = array<i32>} : memref<2x4x64xf32, #tpu.memory_space<vmem>>, vector<16xf32>,
        %broadcast_in_dim3A_341 = arith.constant 1 : i32
        %broadcast_in_dim3A_342 = vector.broadcast %broadcast_in_dim3A_341 : i32 to vector<16xi32>
        %gather3A_343 = arith.constant 0 : i32
        %gather3A_344 = arith.constant 0 : i32
        %gather3A_345 = arith.constant 0 : i32
        %gather3A_346 = tpu.memref_slice %arg6[%gather3A_343, %gather3A_344, %gather3A_345] : memref<2x4x10000xf32, #tpu.memory_space<vmem>> -> memref<1x4x10000xf32, #tpu.memory_space<vmem>>
        %gather3A_347 = tpu.memref_squeeze %gather3A_346 : memref<1x4x10000xf32, #tpu.memory_space<vmem>> -> memref<4x10000xf32, #tpu.memory_space<vmem>>
        %gather3A_348 = tpu.vector_load_idx %gather3A_347[%broadcast_in_dim3A_342, %get3A_334] : memref<4x10000xf32, #tpu.memory_space<vmem>>[vector<16xi32>, vector<16xi32>], vector<16xf32>,
        %shift_right_arithmetic3A_349 = arith.constant 7 : i32
        %shift_right_arithmetic3A_350 = vector.broadcast %shift_right_arithmetic3A_349 : i32 to vector<16xi32>
        %shift_right_arithmetic3A_351 = arith.shrsi %get3A_334, %shift_right_arithmetic3A_350 : vector<16xi32>
        %and3A_352 = arith.constant 127 : i32
        %and3A_353 = vector.broadcast %and3A_352 : i32 to vector<16xi32>
        %and3A_354 = arith.andi %get3A_334, %and3A_353 : vector<16xi32>
        %mul3A_355 = arith.mulf %gather3A_348, %get3A_340 : vector<16xf32>
        tpu.vector_store_idx %arg9[%shift_right_arithmetic3A_351, %and3A_354], %mul3A_355 {add = true} : memref<80x128xf32, #tpu.memory_space<vmem>>[vector<16xi32>, vector<16xi32>], vector<16xf32>,
        %get3A_356 = arith.constant 0 : i32
        %get3A_357 = arith.constant 2 : i32
        %get3A_358 = arith.index_cast %get3A_356 : i32 to index
        %get3A_359 = arith.index_cast %get3A_357 : i32 to index
        %get3A_360 = arith.constant 0 : index
        %get3A_361 = tpu.vector_load %arg7[%get3A_358, %get3A_359, %get3A_360] {strides = array<i32>} : memref<2x4x64xi32, #tpu.memory_space<vmem>>, vector<16xi32>,
        %get3A_362 = arith.constant 0 : i32
        %get3A_363 = arith.constant 2 : i32
        %get3A_364 = arith.index_cast %get3A_362 : i32 to index
        %get3A_365 = arith.index_cast %get3A_363 : i32 to index
        %get3A_366 = arith.constant 0 : index
        %get3A_367 = tpu.vector_load %arg8[%get3A_364, %get3A_365, %get3A_366] {strides = array<i32>} : memref<2x4x64xf32, #tpu.memory_space<vmem>>, vector<16xf32>,
        %broadcast_in_dim3A_368 = arith.constant 2 : i32
        %broadcast_in_dim3A_369 = vector.broadcast %broadcast_in_dim3A_368 : i32 to vector<16xi32>
        %gather3A_370 = arith.constant 0 : i32
        %gather3A_371 = arith.constant 0 : i32
        %gather3A_372 = arith.constant 0 : i32
        %gather3A_373 = tpu.memref_slice %arg6[%gather3A_370, %gather3A_371, %gather3A_372] : memref<2x4x10000xf32, #tpu.memory_space<vmem>> -> memref<1x4x10000xf32, #tpu.memory_space<vmem>>
        %gather3A_374 = tpu.memref_squeeze %gather3A_373 : memref<1x4x10000xf32, #tpu.memory_space<vmem>> -> memref<4x10000xf32, #tpu.memory_space<vmem>>
        %gather3A_375 = tpu.vector_load_idx %gather3A_374[%broadcast_in_dim3A_369, %get3A_361] : memref<4x10000xf32, #tpu.memory_space<vmem>>[vector<16xi32>, vector<16xi32>], vector<16xf32>,
        %shift_right_arithmetic3A_376 = arith.constant 7 : i32
        %shift_right_arithmetic3A_377 = vector.broadcast %shift_right_arithmetic3A_376 : i32 to vector<16xi32>
        %shift_right_arithmetic3A_378 = arith.shrsi %get3A_361, %shift_right_arithmetic3A_377 : vector<16xi32>
        %and3A_379 = arith.constant 127 : i32
        %and3A_380 = vector.broadcast %and3A_379 : i32 to vector<16xi32>
        %and3A_381 = arith.andi %get3A_361, %and3A_380 : vector<16xi32>
        %mul3A_382 = arith.mulf %gather3A_375, %get3A_367 : vector<16xf32>
        tpu.vector_store_idx %arg9[%shift_right_arithmetic3A_378, %and3A_381], %mul3A_382 {add = true} : memref<80x128xf32, #tpu.memory_space<vmem>>[vector<16xi32>, vector<16xi32>], vector<16xf32>,
        %get3A_383 = arith.constant 0 : i32
        %get3A_384 = arith.constant 2 : i32
        %get3A_385 = arith.index_cast %get3A_383 : i32 to index
        %get3A_386 = arith.index_cast %get3A_384 : i32 to index
        %get3A_387 = arith.constant 16 : index
        %get3A_388 = tpu.vector_load %arg7[%get3A_385, %get3A_386, %get3A_387] {strides = array<i32>} : memref<2x4x64xi32, #tpu.memory_space<vmem>>, vector<16xi32>,
        %get3A_389 = arith.constant 0 : i32
        %get3A_390 = arith.constant 2 : i32
        %get3A_391 = arith.index_cast %get3A_389 : i32 to index
        %get3A_392 = arith.index_cast %get3A_390 : i32 to index
        %get3A_393 = arith.constant 16 : index
        %get3A_394 = tpu.vector_load %arg8[%get3A_391, %get3A_392, %get3A_393] {strides = array<i32>} : memref<2x4x64xf32, #tpu.memory_space<vmem>>, vector<16xf32>,
        %broadcast_in_dim3A_395 = arith.constant 2 : i32
        %broadcast_in_dim3A_396 = vector.broadcast %broadcast_in_dim3A_395 : i32 to vector<16xi32>
        %gather3A_397 = arith.constant 0 : i32
        %gather3A_398 = arith.constant 0 : i32
        %gather3A_399 = arith.constant 0 : i32
        %gather3A_400 = tpu.memref_slice %arg6[%gather3A_397, %gather3A_398, %gather3A_399] : memref<2x4x10000xf32, #tpu.memory_space<vmem>> -> memref<1x4x10000xf32, #tpu.memory_space<vmem>>
        %gather3A_401 = tpu.memref_squeeze %gather3A_400 : memref<1x4x10000xf32, #tpu.memory_space<vmem>> -> memref<4x10000xf32, #tpu.memory_space<vmem>>
        %gather3A_402 = tpu.vector_load_idx %gather3A_401[%broadcast_in_dim3A_396, %get3A_388] : memref<4x10000xf32, #tpu.memory_space<vmem>>[vector<16xi32>, vector<16xi32>], vector<16xf32>,
        %shift_right_arithmetic3A_403 = arith.constant 7 : i32
        %shift_right_arithmetic3A_404 = vector.broadcast %shift_right_arithmetic3A_403 : i32 to vector<16xi32>
        %shift_right_arithmetic3A_405 = arith.shrsi %get3A_388, %shift_right_arithmetic3A_404 : vector<16xi32>
        %and3A_406 = arith.constant 127 : i32
        %and3A_407 = vector.broadcast %and3A_406 : i32 to vector<16xi32>
        %and3A_408 = arith.andi %get3A_388, %and3A_407 : vector<16xi32>
        %mul3A_409 = arith.mulf %gather3A_402, %get3A_394 : vector<16xf32>
        tpu.vector_store_idx %arg9[%shift_right_arithmetic3A_405, %and3A_408], %mul3A_409 {add = true} : memref<80x128xf32, #tpu.memory_space<vmem>>[vector<16xi32>, vector<16xi32>], vector<16xf32>,
        %get3A_410 = arith.constant 0 : i32
        %get3A_411 = arith.constant 2 : i32
        %get3A_412 = arith.index_cast %get3A_410 : i32 to index
        %get3A_413 = arith.index_cast %get3A_411 : i32 to index
        %get3A_414 = arith.constant 32 : index
        %get3A_415 = tpu.vector_load %arg7[%get3A_412, %get3A_413, %get3A_414] {strides = array<i32>} : memref<2x4x64xi32, #tpu.memory_space<vmem>>, vector<16xi32>,
        %get3A_416 = arith.constant 0 : i32
        %get3A_417 = arith.constant 2 : i32
        %get3A_418 = arith.index_cast %get3A_416 : i32 to index
        %get3A_419 = arith.index_cast %get3A_417 : i32 to index
        %get3A_420 = arith.constant 32 : index
        %get3A_421 = tpu.vector_load %arg8[%get3A_418, %get3A_419, %get3A_420] {strides = array<i32>} : memref<2x4x64xf32, #tpu.memory_space<vmem>>, vector<16xf32>,
        %broadcast_in_dim3A_422 = arith.constant 2 : i32
        %broadcast_in_dim3A_423 = vector.broadcast %broadcast_in_dim3A_422 : i32 to vector<16xi32>
        %gather3A_424 = arith.constant 0 : i32
        %gather3A_425 = arith.constant 0 : i32
        %gather3A_426 = arith.constant 0 : i32
        %gather3A_427 = tpu.memref_slice %arg6[%gather3A_424, %gather3A_425, %gather3A_426] : memref<2x4x10000xf32, #tpu.memory_space<vmem>> -> memref<1x4x10000xf32, #tpu.memory_space<vmem>>
        %gather3A_428 = tpu.memref_squeeze %gather3A_427 : memref<1x4x10000xf32, #tpu.memory_space<vmem>> -> memref<4x10000xf32, #tpu.memory_space<vmem>>
        %gather3A_429 = tpu.vector_load_idx %gather3A_428[%broadcast_in_dim3A_423, %get3A_415] : memref<4x10000xf32, #tpu.memory_space<vmem>>[vector<16xi32>, vector<16xi32>], vector<16xf32>,
        %shift_right_arithmetic3A_430 = arith.constant 7 : i32
        %shift_right_arithmetic3A_431 = vector.broadcast %shift_right_arithmetic3A_430 : i32 to vector<16xi32>
        %shift_right_arithmetic3A_432 = arith.shrsi %get3A_415, %shift_right_arithmetic3A_431 : vector<16xi32>
        %and3A_433 = arith.constant 127 : i32
        %and3A_434 = vector.broadcast %and3A_433 : i32 to vector<16xi32>
        %and3A_435 = arith.andi %get3A_415, %and3A_434 : vector<16xi32>
        %mul3A_436 = arith.mulf %gather3A_429, %get3A_421 : vector<16xf32>
        tpu.vector_store_idx %arg9[%shift_right_arithmetic3A_432, %and3A_435], %mul3A_436 {add = true} : memref<80x128xf32, #tpu.memory_space<vmem>>[vector<16xi32>, vector<16xi32>], vector<16xf32>,
        %get3A_437 = arith.constant 0 : i32
        %get3A_438 = arith.constant 2 : i32
        %get3A_439 = arith.index_cast %get3A_437 : i32 to index
        %get3A_440 = arith.index_cast %get3A_438 : i32 to index
        %get3A_441 = arith.constant 48 : index
        %get3A_442 = tpu.vector_load %arg7[%get3A_439, %get3A_440, %get3A_441] {strides = array<i32>} : memref<2x4x64xi32, #tpu.memory_space<vmem>>, vector<16xi32>,
        %get3A_443 = arith.constant 0 : i32
        %get3A_444 = arith.constant 2 : i32
        %get3A_445 = arith.index_cast %get3A_443 : i32 to index
        %get3A_446 = arith.index_cast %get3A_444 : i32 to index
        %get3A_447 = arith.constant 48 : index
        %get3A_448 = tpu.vector_load %arg8[%get3A_445, %get3A_446, %get3A_447] {strides = array<i32>} : memref<2x4x64xf32, #tpu.memory_space<vmem>>, vector<16xf32>,
        %broadcast_in_dim3A_449 = arith.constant 2 : i32
        %broadcast_in_dim3A_450 = vector.broadcast %broadcast_in_dim3A_449 : i32 to vector<16xi32>
        %gather3A_451 = arith.constant 0 : i32
        %gather3A_452 = arith.constant 0 : i32
        %gather3A_453 = arith.constant 0 : i32
        %gather3A_454 = tpu.memref_slice %arg6[%gather3A_451, %gather3A_452, %gather3A_453] : memref<2x4x10000xf32, #tpu.memory_space<vmem>> -> memref<1x4x10000xf32, #tpu.memory_space<vmem>>
        %gather3A_455 = tpu.memref_squeeze %gather3A_454 : memref<1x4x10000xf32, #tpu.memory_space<vmem>> -> memref<4x10000xf32, #tpu.memory_space<vmem>>
        %gather3A_456 = tpu.vector_load_idx %gather3A_455[%broadcast_in_dim3A_450, %get3A_442] : memref<4x10000xf32, #tpu.memory_space<vmem>>[vector<16xi32>, vector<16xi32>], vector<16xf32>,
        %shift_right_arithmetic3A_457 = arith.constant 7 : i32
        %shift_right_arithmetic3A_458 = vector.broadcast %shift_right_arithmetic3A_457 : i32 to vector<16xi32>
        %shift_right_arithmetic3A_459 = arith.shrsi %get3A_442, %shift_right_arithmetic3A_458 : vector<16xi32>
        %and3A_460 = arith.constant 127 : i32
        %and3A_461 = vector.broadcast %and3A_460 : i32 to vector<16xi32>
        %and3A_462 = arith.andi %get3A_442, %and3A_461 : vector<16xi32>
        %mul3A_463 = arith.mulf %gather3A_456, %get3A_448 : vector<16xf32>
        tpu.vector_store_idx %arg9[%shift_right_arithmetic3A_459, %and3A_462], %mul3A_463 {add = true} : memref<80x128xf32, #tpu.memory_space<vmem>>[vector<16xi32>, vector<16xi32>], vector<16xf32>,
        %get3A_464 = arith.constant 0 : i32
        %get3A_465 = arith.constant 3 : i32
        %get3A_466 = arith.index_cast %get3A_464 : i32 to index
        %get3A_467 = arith.index_cast %get3A_465 : i32 to index
        %get3A_468 = arith.constant 0 : index
        %get3A_469 = tpu.vector_load %arg7[%get3A_466, %get3A_467, %get3A_468] {strides = array<i32>} : memref<2x4x64xi32, #tpu.memory_space<vmem>>, vector<16xi32>,
        %get3A_470 = arith.constant 0 : i32
        %get3A_471 = arith.constant 3 : i32
        %get3A_472 = arith.index_cast %get3A_470 : i32 to index
        %get3A_473 = arith.index_cast %get3A_471 : i32 to index
        %get3A_474 = arith.constant 0 : index
        %get3A_475 = tpu.vector_load %arg8[%get3A_472, %get3A_473, %get3A_474] {strides = array<i32>} : memref<2x4x64xf32, #tpu.memory_space<vmem>>, vector<16xf32>,
        %broadcast_in_dim3A_476 = arith.constant 3 : i32
        %broadcast_in_dim3A_477 = vector.broadcast %broadcast_in_dim3A_476 : i32 to vector<16xi32>
        %gather3A_478 = arith.constant 0 : i32
        %gather3A_479 = arith.constant 0 : i32
        %gather3A_480 = arith.constant 0 : i32
        %gather3A_481 = tpu.memref_slice %arg6[%gather3A_478, %gather3A_479, %gather3A_480] : memref<2x4x10000xf32, #tpu.memory_space<vmem>> -> memref<1x4x10000xf32, #tpu.memory_space<vmem>>
        %gather3A_482 = tpu.memref_squeeze %gather3A_481 : memref<1x4x10000xf32, #tpu.memory_space<vmem>> -> memref<4x10000xf32, #tpu.memory_space<vmem>>
        %gather3A_483 = tpu.vector_load_idx %gather3A_482[%broadcast_in_dim3A_477, %get3A_469] : memref<4x10000xf32, #tpu.memory_space<vmem>>[vector<16xi32>, vector<16xi32>], vector<16xf32>,
        %shift_right_arithmetic3A_484 = arith.constant 7 : i32
        %shift_right_arithmetic3A_485 = vector.broadcast %shift_right_arithmetic3A_484 : i32 to vector<16xi32>
        %shift_right_arithmetic3A_486 = arith.shrsi %get3A_469, %shift_right_arithmetic3A_485 : vector<16xi32>
        %and3A_487 = arith.constant 127 : i32
        %and3A_488 = vector.broadcast %and3A_487 : i32 to vector<16xi32>
        %and3A_489 = arith.andi %get3A_469, %and3A_488 : vector<16xi32>
        %mul3A_490 = arith.mulf %gather3A_483, %get3A_475 : vector<16xf32>
        tpu.vector_store_idx %arg9[%shift_right_arithmetic3A_486, %and3A_489], %mul3A_490 {add = true} : memref<80x128xf32, #tpu.memory_space<vmem>>[vector<16xi32>, vector<16xi32>], vector<16xf32>,
        %get3A_491 = arith.constant 0 : i32
        %get3A_492 = arith.constant 3 : i32
        %get3A_493 = arith.index_cast %get3A_491 : i32 to index
        %get3A_494 = arith.index_cast %get3A_492 : i32 to index
        %get3A_495 = arith.constant 16 : index
        %get3A_496 = tpu.vector_load %arg7[%get3A_493, %get3A_494, %get3A_495] {strides = array<i32>} : memref<2x4x64xi32, #tpu.memory_space<vmem>>, vector<16xi32>,
        %get3A_497 = arith.constant 0 : i32
        %get3A_498 = arith.constant 3 : i32
        %get3A_499 = arith.index_cast %get3A_497 : i32 to index
        %get3A_500 = arith.index_cast %get3A_498 : i32 to index
        %get3A_501 = arith.constant 16 : index
        %get3A_502 = tpu.vector_load %arg8[%get3A_499, %get3A_500, %get3A_501] {strides = array<i32>} : memref<2x4x64xf32, #tpu.memory_space<vmem>>, vector<16xf32>,
        %broadcast_in_dim3A_503 = arith.constant 3 : i32
        %broadcast_in_dim3A_504 = vector.broadcast %broadcast_in_dim3A_503 : i32 to vector<16xi32>
        %gather3A_505 = arith.constant 0 : i32
        %gather3A_506 = arith.constant 0 : i32
        %gather3A_507 = arith.constant 0 : i32
        %gather3A_508 = tpu.memref_slice %arg6[%gather3A_505, %gather3A_506, %gather3A_507] : memref<2x4x10000xf32, #tpu.memory_space<vmem>> -> memref<1x4x10000xf32, #tpu.memory_space<vmem>>
        %gather3A_509 = tpu.memref_squeeze %gather3A_508 : memref<1x4x10000xf32, #tpu.memory_space<vmem>> -> memref<4x10000xf32, #tpu.memory_space<vmem>>
        %gather3A_510 = tpu.vector_load_idx %gather3A_509[%broadcast_in_dim3A_504, %get3A_496] : memref<4x10000xf32, #tpu.memory_space<vmem>>[vector<16xi32>, vector<16xi32>], vector<16xf32>,
        %shift_right_arithmetic3A_511 = arith.constant 7 : i32
        %shift_right_arithmetic3A_512 = vector.broadcast %shift_right_arithmetic3A_511 : i32 to vector<16xi32>
        %shift_right_arithmetic3A_513 = arith.shrsi %get3A_496, %shift_right_arithmetic3A_512 : vector<16xi32>
        %and3A_514 = arith.constant 127 : i32
        %and3A_515 = vector.broadcast %and3A_514 : i32 to vector<16xi32>
        %and3A_516 = arith.andi %get3A_496, %and3A_515 : vector<16xi32>
        %mul3A_517 = arith.mulf %gather3A_510, %get3A_502 : vector<16xf32>
        tpu.vector_store_idx %arg9[%shift_right_arithmetic3A_513, %and3A_516], %mul3A_517 {add = true} : memref<80x128xf32, #tpu.memory_space<vmem>>[vector<16xi32>, vector<16xi32>], vector<16xf32>,
        %get3A_518 = arith.constant 0 : i32
        %get3A_519 = arith.constant 3 : i32
        %get3A_520 = arith.index_cast %get3A_518 : i32 to index
        %get3A_521 = arith.index_cast %get3A_519 : i32 to index
        %get3A_522 = arith.constant 32 : index
        %get3A_523 = tpu.vector_load %arg7[%get3A_520, %get3A_521, %get3A_522] {strides = array<i32>} : memref<2x4x64xi32, #tpu.memory_space<vmem>>, vector<16xi32>,
        %get3A_524 = arith.constant 0 : i32
        %get3A_525 = arith.constant 3 : i32
        %get3A_526 = arith.index_cast %get3A_524 : i32 to index
        %get3A_527 = arith.index_cast %get3A_525 : i32 to index
        %get3A_528 = arith.constant 32 : index
        %get3A_529 = tpu.vector_load %arg8[%get3A_526, %get3A_527, %get3A_528] {strides = array<i32>} : memref<2x4x64xf32, #tpu.memory_space<vmem>>, vector<16xf32>,
        %broadcast_in_dim3A_530 = arith.constant 3 : i32
        %broadcast_in_dim3A_531 = vector.broadcast %broadcast_in_dim3A_530 : i32 to vector<16xi32>
        %gather3A_532 = arith.constant 0 : i32
        %gather3A_533 = arith.constant 0 : i32
        %gather3A_534 = arith.constant 0 : i32
        %gather3A_535 = tpu.memref_slice %arg6[%gather3A_532, %gather3A_533, %gather3A_534] : memref<2x4x10000xf32, #tpu.memory_space<vmem>> -> memref<1x4x10000xf32, #tpu.memory_space<vmem>>
        %gather3A_536 = tpu.memref_squeeze %gather3A_535 : memref<1x4x10000xf32, #tpu.memory_space<vmem>> -> memref<4x10000xf32, #tpu.memory_space<vmem>>
        %gather3A_537 = tpu.vector_load_idx %gather3A_536[%broadcast_in_dim3A_531, %get3A_523] : memref<4x10000xf32, #tpu.memory_space<vmem>>[vector<16xi32>, vector<16xi32>], vector<16xf32>,
        %shift_right_arithmetic3A_538 = arith.constant 7 : i32
        %shift_right_arithmetic3A_539 = vector.broadcast %shift_right_arithmetic3A_538 : i32 to vector<16xi32>
        %shift_right_arithmetic3A_540 = arith.shrsi %get3A_523, %shift_right_arithmetic3A_539 : vector<16xi32>
        %and3A_541 = arith.constant 127 : i32
        %and3A_542 = vector.broadcast %and3A_541 : i32 to vector<16xi32>
        %and3A_543 = arith.andi %get3A_523, %and3A_542 : vector<16xi32>
        %mul3A_544 = arith.mulf %gather3A_537, %get3A_529 : vector<16xf32>
        tpu.vector_store_idx %arg9[%shift_right_arithmetic3A_540, %and3A_543], %mul3A_544 {add = true} : memref<80x128xf32, #tpu.memory_space<vmem>>[vector<16xi32>, vector<16xi32>], vector<16xf32>,
        %get3A_545 = arith.constant 0 : i32
        %get3A_546 = arith.constant 3 : i32
        %get3A_547 = arith.index_cast %get3A_545 : i32 to index
        %get3A_548 = arith.index_cast %get3A_546 : i32 to index
        %get3A_549 = arith.constant 48 : index
        %get3A_550 = tpu.vector_load %arg7[%get3A_547, %get3A_548, %get3A_549] {strides = array<i32>} : memref<2x4x64xi32, #tpu.memory_space<vmem>>, vector<16xi32>,
        %get3A_551 = arith.constant 0 : i32
        %get3A_552 = arith.constant 3 : i32
        %get3A_553 = arith.index_cast %get3A_551 : i32 to index
        %get3A_554 = arith.index_cast %get3A_552 : i32 to index
        %get3A_555 = arith.constant 48 : index
        %get3A_556 = tpu.vector_load %arg8[%get3A_553, %get3A_554, %get3A_555] {strides = array<i32>} : memref<2x4x64xf32, #tpu.memory_space<vmem>>, vector<16xf32>,
        %broadcast_in_dim3A_557 = arith.constant 3 : i32
        %broadcast_in_dim3A_558 = vector.broadcast %broadcast_in_dim3A_557 : i32 to vector<16xi32>
        %gather3A_559 = arith.constant 0 : i32
        %gather3A_560 = arith.constant 0 : i32
        %gather3A_561 = arith.constant 0 : i32
        %gather3A_562 = tpu.memref_slice %arg6[%gather3A_559, %gather3A_560, %gather3A_561] : memref<2x4x10000xf32, #tpu.memory_space<vmem>> -> memref<1x4x10000xf32, #tpu.memory_space<vmem>>
        %gather3A_563 = tpu.memref_squeeze %gather3A_562 : memref<1x4x10000xf32, #tpu.memory_space<vmem>> -> memref<4x10000xf32, #tpu.memory_space<vmem>>
        %gather3A_564 = tpu.vector_load_idx %gather3A_563[%broadcast_in_dim3A_558, %get3A_550] : memref<4x10000xf32, #tpu.memory_space<vmem>>[vector<16xi32>, vector<16xi32>], vector<16xf32>,
        %shift_right_arithmetic3A_565 = arith.constant 7 : i32
        %shift_right_arithmetic3A_566 = vector.broadcast %shift_right_arithmetic3A_565 : i32 to vector<16xi32>
        %shift_right_arithmetic3A_567 = arith.shrsi %get3A_550, %shift_right_arithmetic3A_566 : vector<16xi32>
        %and3A_568 = arith.constant 127 : i32
        %and3A_569 = vector.broadcast %and3A_568 : i32 to vector<16xi32>
        %and3A_570 = arith.andi %get3A_550, %and3A_569 : vector<16xi32>
        %mul3A_571 = arith.mulf %gather3A_564, %get3A_556 : vector<16xf32>
        tpu.vector_store_idx %arg9[%shift_right_arithmetic3A_567, %and3A_570], %mul3A_571 {add = true} : memref<80x128xf32, #tpu.memory_space<vmem>>[vector<16xi32>, vector<16xi32>], vector<16xf32>,
      } else {
      }
      %add3A_69 = arith.constant 64 : i32
      %add3A_70 = arith.addi %add3A_63, %add3A_69 : i32
      %lt3A_71 = arith.constant 2500 : i32
      %lt3A_72 = arith.cmpi slt, %add3A_70, %lt3A_71 : i32
      %convert_element_type3A_73 = arith.extui %lt3A_72 : i1 to i32
      %cond3A_74 = arith.constant 0 : i32
      %cond3A_75 = arith.cmpi ne, %convert_element_type3A_73, %cond3A_74 : i32
      scf.if %cond3A_75 {
        %mul3A_95 = arith.constant 4 : i32
        %mul3A_96 = arith.muli %add3A_70, %mul3A_95 : i32
        %dma_start3A = arith.constant 0 : i32
        %dma_start3A_97 = arith.constant 0 : i32
        %dma_start3A_98 = arith.constant 0 : i32
        %dma_start3A_99 = arith.constant 0 : i32
        %dma_start3A_100 = tpu.memref_slice %arg6[%dma_start3A, %dma_start3A_98, %dma_start3A_99] : memref<2x4x10000xf32, #tpu.memory_space<vmem>> -> memref<1x4x10000xf32, #tpu.memory_space<vmem>>
        %dma_start3A_101 = tpu.memref_squeeze %dma_start3A_100 : memref<1x4x10000xf32, #tpu.memory_space<vmem>> -> memref<4x10000xf32, #tpu.memory_space<vmem>>
        %dma_start3A_102 = arith.constant 0 : i32
        %dma_start3A_103 = tpu.memref_slice %arg2[%mul3A_96, %dma_start3A_102] : memref<10000x10000xf32, #tpu.memory_space<hbm>> -> memref<4x10000xf32, #tpu.memory_space<hbm>>
        %dma_start3A_104 = tpu.memref_slice %arg12[%dma_start3A_97] : memref<2x!tpu.dma_semaphore, #tpu.memory_space<semaphore_mem>> -> memref<1x!tpu.dma_semaphore, #tpu.memory_space<semaphore_mem>>
        %dma_start3A_105 = tpu.memref_squeeze %dma_start3A_104 : memref<1x!tpu.dma_semaphore, #tpu.memory_space<semaphore_mem>> -> memref<!tpu.dma_semaphore, #tpu.memory_space<semaphore_mem>>
        %dma_start3A_106 = arith.constant 0 : i32
        %dma_start3A_107 = arith.constant 0 : i32
        %dma_start3A_108 = tpu.memref_slice %arg6[%dma_start3A, %dma_start3A_106, %dma_start3A_107] : memref<2x4x10000xf32, #tpu.memory_space<vmem>> -> memref<1x4x10000xf32, #tpu.memory_space<vmem>>
        %dma_start3A_109 = tpu.memref_squeeze %dma_start3A_108 : memref<1x4x10000xf32, #tpu.memory_space<vmem>> -> memref<4x10000xf32, #tpu.memory_space<vmem>>
        %dma_start3A_110 = arith.constant 0 : i32
        %dma_start3A_111 = tpu.memref_slice %arg2[%mul3A_96, %dma_start3A_110] : memref<10000x10000xf32, #tpu.memory_space<hbm>> -> memref<4x10000xf32, #tpu.memory_space<hbm>>
        tpu.enqueue_dma source(%dma_start3A_111 : memref<4x10000xf32, #tpu.memory_space<hbm>>) target(%dma_start3A_109 : memref<4x10000xf32, #tpu.memory_space<vmem>>) target_semaphore(%dma_start3A_105 : memref<!tpu.dma_semaphore, #tpu.memory_space<semaphore_mem>>)
        %dma_start3A_112 = arith.constant 0 : i32
        %dma_start3A_113 = arith.constant 0 : i32
        %dma_start3A_114 = arith.constant 0 : i32
        %dma_start3A_115 = arith.constant 0 : i32
        %dma_start3A_116 = tpu.memref_slice %arg7[%dma_start3A_112, %dma_start3A_114, %dma_start3A_115] : memref<2x4x64xi32, #tpu.memory_space<vmem>> -> memref<1x4x64xi32, #tpu.memory_space<vmem>>
        %dma_start3A_117 = tpu.memref_squeeze %dma_start3A_116 : memref<1x4x64xi32, #tpu.memory_space<vmem>> -> memref<4x64xi32, #tpu.memory_space<vmem>>
        %dma_start3A_118 = arith.constant 0 : i32
        %dma_start3A_119 = tpu.memref_slice %arg3[%mul3A_96, %dma_start3A_118] : memref<10000x64xi32, #tpu.memory_space<hbm>> -> memref<4x64xi32, #tpu.memory_space<hbm>>
        %dma_start3A_120 = tpu.memref_slice %arg12[%dma_start3A_113] : memref<2x!tpu.dma_semaphore, #tpu.memory_space<semaphore_mem>> -> memref<1x!tpu.dma_semaphore, #tpu.memory_space<semaphore_mem>>
        %dma_start3A_121 = tpu.memref_squeeze %dma_start3A_120 : memref<1x!tpu.dma_semaphore, #tpu.memory_space<semaphore_mem>> -> memref<!tpu.dma_semaphore, #tpu.memory_space<semaphore_mem>>
        %dma_start3A_122 = arith.constant 0 : i32
        %dma_start3A_123 = arith.constant 0 : i32
        %dma_start3A_124 = tpu.memref_slice %arg7[%dma_start3A_112, %dma_start3A_122, %dma_start3A_123] : memref<2x4x64xi32, #tpu.memory_space<vmem>> -> memref<1x4x64xi32, #tpu.memory_space<vmem>>
        %dma_start3A_125 = tpu.memref_squeeze %dma_start3A_124 : memref<1x4x64xi32, #tpu.memory_space<vmem>> -> memref<4x64xi32, #tpu.memory_space<vmem>>
        %dma_start3A_126 = arith.constant 0 : i32
        %dma_start3A_127 = tpu.memref_slice %arg3[%mul3A_96, %dma_start3A_126] : memref<10000x64xi32, #tpu.memory_space<hbm>> -> memref<4x64xi32, #tpu.memory_space<hbm>>
        tpu.enqueue_dma source(%dma_start3A_127 : memref<4x64xi32, #tpu.memory_space<hbm>>) target(%dma_start3A_125 : memref<4x64xi32, #tpu.memory_space<vmem>>) target_semaphore(%dma_start3A_121 : memref<!tpu.dma_semaphore, #tpu.memory_space<semaphore_mem>>)
        %dma_start3A_128 = arith.constant 0 : i32
        %dma_start3A_129 = arith.constant 0 : i32
        %dma_start3A_130 = arith.constant 0 : i32
        %dma_start3A_131 = arith.constant 0 : i32
        %dma_start3A_132 = tpu.memref_slice %arg8[%dma_start3A_128, %dma_start3A_130, %dma_start3A_131] : memref<2x4x64xf32, #tpu.memory_space<vmem>> -> memref<1x4x64xf32, #tpu.memory_space<vmem>>
        %dma_start3A_133 = tpu.memref_squeeze %dma_start3A_132 : memref<1x4x64xf32, #tpu.memory_space<vmem>> -> memref<4x64xf32, #tpu.memory_space<vmem>>
        %dma_start3A_134 = arith.constant 0 : i32
        %dma_start3A_135 = tpu.memref_slice %arg4[%mul3A_96, %dma_start3A_134] : memref<10000x64xf32, #tpu.memory_space<hbm>> -> memref<4x64xf32, #tpu.memory_space<hbm>>
        %dma_start3A_136 = tpu.memref_slice %arg12[%dma_start3A_129] : memref<2x!tpu.dma_semaphore, #tpu.memory_space<semaphore_mem>> -> memref<1x!tpu.dma_semaphore, #tpu.memory_space<semaphore_mem>>
        %dma_start3A_137 = tpu.memref_squeeze %dma_start3A_136 : memref<1x!tpu.dma_semaphore, #tpu.memory_space<semaphore_mem>> -> memref<!tpu.dma_semaphore, #tpu.memory_space<semaphore_mem>>
        %dma_start3A_138 = arith.constant 0 : i32
        %dma_start3A_139 = arith.constant 0 : i32
        %dma_start3A_140 = tpu.memref_slice %arg8[%dma_start3A_128, %dma_start3A_138, %dma_start3A_139] : memref<2x4x64xf32, #tpu.memory_space<vmem>> -> memref<1x4x64xf32, #tpu.memory_space<vmem>>
        %dma_start3A_141 = tpu.memref_squeeze %dma_start3A_140 : memref<1x4x64xf32, #tpu.memory_space<vmem>> -> memref<4x64xf32, #tpu.memory_space<vmem>>
        %dma_start3A_142 = arith.constant 0 : i32
        %dma_start3A_143 = tpu.memref_slice %arg4[%mul3A_96, %dma_start3A_142] : memref<10000x64xf32, #tpu.memory_space<hbm>> -> memref<4x64xf32, #tpu.memory_space<hbm>>
        tpu.enqueue_dma source(%dma_start3A_143 : memref<4x64xf32, #tpu.memory_space<hbm>>) target(%dma_start3A_141 : memref<4x64xf32, #tpu.memory_space<vmem>>) target_semaphore(%dma_start3A_137 : memref<!tpu.dma_semaphore, #tpu.memory_space<semaphore_mem>>)
      } else {
      }
      %mul3A_76 = arith.constant 2 : i32
      %mul3A_77 = arith.muli %scan3A_56, %mul3A_76 : i32
      %add3A_78 = arith.constant 1 : i32
      %add3A_79 = arith.addi %mul3A_77, %add3A_78 : i32
      %mul3A_80 = arith.constant 32 : i32
      %mul3A_81 = arith.muli %add3A_79, %mul3A_80 : i32
      %add3A_82 = arith.addi %add3A, %mul3A_81 : i32
      %lt3A_83 = arith.constant 2500 : i32
      %lt3A_84 = arith.cmpi slt, %add3A_82, %lt3A_83 : i32
      %convert_element_type3A_85 = arith.extui %lt3A_84 : i1 to i32
      %cond3A_86 = arith.constant 0 : i32
      %cond3A_87 = arith.cmpi ne, %convert_element_type3A_85, %cond3A_86 : i32
      scf.if %cond3A_87 {
        %mul3A_95 = arith.constant 4 : i32
        %mul3A_96 = arith.muli %add3A_82, %mul3A_95 : i32
        %dma_wait3A = arith.constant 1 : i32
        %dma_wait3A_97 = arith.constant 1 : i32
        %dma_wait3A_98 = arith.constant 0 : i32
        %dma_wait3A_99 = arith.constant 0 : i32
        %dma_wait3A_100 = tpu.memref_slice %arg6[%dma_wait3A, %dma_wait3A_98, %dma_wait3A_99] : memref<2x4x10000xf32, #tpu.memory_space<vmem>> -> memref<1x4x10000xf32, #tpu.memory_space<vmem>>
        %dma_wait3A_101 = tpu.memref_squeeze %dma_wait3A_100 : memref<1x4x10000xf32, #tpu.memory_space<vmem>> -> memref<4x10000xf32, #tpu.memory_space<vmem>>
        %dma_wait3A_102 = arith.constant 0 : i32
        %dma_wait3A_103 = tpu.memref_slice %arg2[%mul3A_96, %dma_wait3A_102] : memref<10000x10000xf32, #tpu.memory_space<hbm>> -> memref<4x10000xf32, #tpu.memory_space<hbm>>
        %dma_wait3A_104 = tpu.memref_slice %arg12[%dma_wait3A_97] : memref<2x!tpu.dma_semaphore, #tpu.memory_space<semaphore_mem>> -> memref<1x!tpu.dma_semaphore, #tpu.memory_space<semaphore_mem>>
        %dma_wait3A_105 = tpu.memref_squeeze %dma_wait3A_104 : memref<1x!tpu.dma_semaphore, #tpu.memory_space<semaphore_mem>> -> memref<!tpu.dma_semaphore, #tpu.memory_space<semaphore_mem>>
        %dma_wait3A_106 = arith.constant 0 : i32
        %dma_wait3A_107 = arith.constant 0 : i32
        %dma_wait3A_108 = tpu.memref_slice %arg6[%dma_wait3A, %dma_wait3A_106, %dma_wait3A_107] : memref<2x4x10000xf32, #tpu.memory_space<vmem>> -> memref<1x4x10000xf32, #tpu.memory_space<vmem>>
        %dma_wait3A_109 = tpu.memref_squeeze %dma_wait3A_108 : memref<1x4x10000xf32, #tpu.memory_space<vmem>> -> memref<4x10000xf32, #tpu.memory_space<vmem>>
        %dma_wait3A_110 = arith.constant 0 : i32
        %dma_wait3A_111 = tpu.memref_slice %arg2[%mul3A_96, %dma_wait3A_110] : memref<10000x10000xf32, #tpu.memory_space<hbm>> -> memref<4x10000xf32, #tpu.memory_space<hbm>>
        tpu.wait_dma2 semaphore(%dma_wait3A_105 : memref<!tpu.dma_semaphore, #tpu.memory_space<semaphore_mem>>) src(%dma_wait3A_111 : memref<4x10000xf32, #tpu.memory_space<hbm>>) dst(%dma_wait3A_109 : memref<4x10000xf32, #tpu.memory_space<vmem>>)
        %dma_wait3A_112 = arith.constant 1 : i32
        %dma_wait3A_113 = arith.constant 1 : i32
        %dma_wait3A_114 = arith.constant 0 : i32
        %dma_wait3A_115 = arith.constant 0 : i32
        %dma_wait3A_116 = tpu.memref_slice %arg7[%dma_wait3A_112, %dma_wait3A_114, %dma_wait3A_115] : memref<2x4x64xi32, #tpu.memory_space<vmem>> -> memref<1x4x64xi32, #tpu.memory_space<vmem>>
        %dma_wait3A_117 = tpu.memref_squeeze %dma_wait3A_116 : memref<1x4x64xi32, #tpu.memory_space<vmem>> -> memref<4x64xi32, #tpu.memory_space<vmem>>
        %dma_wait3A_118 = arith.constant 0 : i32
        %dma_wait3A_119 = tpu.memref_slice %arg3[%mul3A_96, %dma_wait3A_118] : memref<10000x64xi32, #tpu.memory_space<hbm>> -> memref<4x64xi32, #tpu.memory_space<hbm>>
        %dma_wait3A_120 = tpu.memref_slice %arg12[%dma_wait3A_113] : memref<2x!tpu.dma_semaphore, #tpu.memory_space<semaphore_mem>> -> memref<1x!tpu.dma_semaphore, #tpu.memory_space<semaphore_mem>>
        %dma_wait3A_121 = tpu.memref_squeeze %dma_wait3A_120 : memref<1x!tpu.dma_semaphore, #tpu.memory_space<semaphore_mem>> -> memref<!tpu.dma_semaphore, #tpu.memory_space<semaphore_mem>>
        %dma_wait3A_122 = arith.constant 0 : i32
        %dma_wait3A_123 = arith.constant 0 : i32
        %dma_wait3A_124 = tpu.memref_slice %arg7[%dma_wait3A_112, %dma_wait3A_122, %dma_wait3A_123] : memref<2x4x64xi32, #tpu.memory_space<vmem>> -> memref<1x4x64xi32, #tpu.memory_space<vmem>>
        %dma_wait3A_125 = tpu.memref_squeeze %dma_wait3A_124 : memref<1x4x64xi32, #tpu.memory_space<vmem>> -> memref<4x64xi32, #tpu.memory_space<vmem>>
        %dma_wait3A_126 = arith.constant 0 : i32
        %dma_wait3A_127 = tpu.memref_slice %arg3[%mul3A_96, %dma_wait3A_126] : memref<10000x64xi32, #tpu.memory_space<hbm>> -> memref<4x64xi32, #tpu.memory_space<hbm>>
        tpu.wait_dma2 semaphore(%dma_wait3A_121 : memref<!tpu.dma_semaphore, #tpu.memory_space<semaphore_mem>>) src(%dma_wait3A_127 : memref<4x64xi32, #tpu.memory_space<hbm>>) dst(%dma_wait3A_125 : memref<4x64xi32, #tpu.memory_space<vmem>>)
        %dma_wait3A_128 = arith.constant 1 : i32
        %dma_wait3A_129 = arith.constant 1 : i32
        %dma_wait3A_130 = arith.constant 0 : i32
        %dma_wait3A_131 = arith.constant 0 : i32
        %dma_wait3A_132 = tpu.memref_slice %arg8[%dma_wait3A_128, %dma_wait3A_130, %dma_wait3A_131] : memref<2x4x64xf32, #tpu.memory_space<vmem>> -> memref<1x4x64xf32, #tpu.memory_space<vmem>>
        %dma_wait3A_133 = tpu.memref_squeeze %dma_wait3A_132 : memref<1x4x64xf32, #tpu.memory_space<vmem>> -> memref<4x64xf32, #tpu.memory_space<vmem>>
        %dma_wait3A_134 = arith.constant 0 : i32
        %dma_wait3A_135 = tpu.memref_slice %arg4[%mul3A_96, %dma_wait3A_134] : memref<10000x64xf32, #tpu.memory_space<hbm>> -> memref<4x64xf32, #tpu.memory_space<hbm>>
        %dma_wait3A_136 = tpu.memref_slice %arg12[%dma_wait3A_129] : memref<2x!tpu.dma_semaphore, #tpu.memory_space<semaphore_mem>> -> memref<1x!tpu.dma_semaphore, #tpu.memory_space<semaphore_mem>>
        %dma_wait3A_137 = tpu.memref_squeeze %dma_wait3A_136 : memref<1x!tpu.dma_semaphore, #tpu.memory_space<semaphore_mem>> -> memref<!tpu.dma_semaphore, #tpu.memory_space<semaphore_mem>>
        %dma_wait3A_138 = arith.constant 0 : i32
        %dma_wait3A_139 = arith.constant 0 : i32
        %dma_wait3A_140 = tpu.memref_slice %arg8[%dma_wait3A_128, %dma_wait3A_138, %dma_wait3A_139] : memref<2x4x64xf32, #tpu.memory_space<vmem>> -> memref<1x4x64xf32, #tpu.memory_space<vmem>>
        %dma_wait3A_141 = tpu.memref_squeeze %dma_wait3A_140 : memref<1x4x64xf32, #tpu.memory_space<vmem>> -> memref<4x64xf32, #tpu.memory_space<vmem>>
        %dma_wait3A_142 = arith.constant 0 : i32
        %dma_wait3A_143 = tpu.memref_slice %arg4[%mul3A_96, %dma_wait3A_142] : memref<10000x64xf32, #tpu.memory_space<hbm>> -> memref<4x64xf32, #tpu.memory_space<hbm>>
        tpu.wait_dma2 semaphore(%dma_wait3A_137 : memref<!tpu.dma_semaphore, #tpu.memory_space<semaphore_mem>>) src(%dma_wait3A_143 : memref<4x64xf32, #tpu.memory_space<hbm>>) dst(%dma_wait3A_141 : memref<4x64xf32, #tpu.memory_space<vmem>>)
        %get3A = arith.constant 1 : i32
        %get3A_144 = arith.constant 0 : i32
        %get3A_145 = arith.index_cast %get3A : i32 to index
        %get3A_146 = arith.index_cast %get3A_144 : i32 to index
        %get3A_147 = arith.constant 0 : index
        %get3A_148 = tpu.vector_load %arg7[%get3A_145, %get3A_146, %get3A_147] {strides = array<i32>} : memref<2x4x64xi32, #tpu.memory_space<vmem>>, vector<16xi32>,
        %get3A_149 = arith.constant 1 : i32
        %get3A_150 = arith.constant 0 : i32
        %get3A_151 = arith.index_cast %get3A_149 : i32 to index
        %get3A_152 = arith.index_cast %get3A_150 : i32 to index
        %get3A_153 = arith.constant 0 : index
        %get3A_154 = tpu.vector_load %arg8[%get3A_151, %get3A_152, %get3A_153] {strides = array<i32>} : memref<2x4x64xf32, #tpu.memory_space<vmem>>, vector<16xf32>,
        %broadcast_in_dim3A_155 = arith.constant 0 : i32
        %broadcast_in_dim3A_156 = vector.broadcast %broadcast_in_dim3A_155 : i32 to vector<16xi32>
        %gather3A = arith.constant 1 : i32
        %gather3A_157 = arith.constant 0 : i32
        %gather3A_158 = arith.constant 0 : i32
        %gather3A_159 = tpu.memref_slice %arg6[%gather3A, %gather3A_157, %gather3A_158] : memref<2x4x10000xf32, #tpu.memory_space<vmem>> -> memref<1x4x10000xf32, #tpu.memory_space<vmem>>
        %gather3A_160 = tpu.memref_squeeze %gather3A_159 : memref<1x4x10000xf32, #tpu.memory_space<vmem>> -> memref<4x10000xf32, #tpu.memory_space<vmem>>
        %gather3A_161 = tpu.vector_load_idx %gather3A_160[%broadcast_in_dim3A_156, %get3A_148] : memref<4x10000xf32, #tpu.memory_space<vmem>>[vector<16xi32>, vector<16xi32>], vector<16xf32>,
        %shift_right_arithmetic3A = arith.constant 7 : i32
        %shift_right_arithmetic3A_162 = vector.broadcast %shift_right_arithmetic3A : i32 to vector<16xi32>
        %shift_right_arithmetic3A_163 = arith.shrsi %get3A_148, %shift_right_arithmetic3A_162 : vector<16xi32>
        %and3A = arith.constant 127 : i32
        %and3A_164 = vector.broadcast %and3A : i32 to vector<16xi32>
        %and3A_165 = arith.andi %get3A_148, %and3A_164 : vector<16xi32>
        %mul3A_166 = arith.mulf %gather3A_161, %get3A_154 : vector<16xf32>
        tpu.vector_store_idx %arg9[%shift_right_arithmetic3A_163, %and3A_165], %mul3A_166 {add = true} : memref<80x128xf32, #tpu.memory_space<vmem>>[vector<16xi32>, vector<16xi32>], vector<16xf32>,
        %get3A_167 = arith.constant 1 : i32
        %get3A_168 = arith.constant 0 : i32
        %get3A_169 = arith.index_cast %get3A_167 : i32 to index
        %get3A_170 = arith.index_cast %get3A_168 : i32 to index
        %get3A_171 = arith.constant 16 : index
        %get3A_172 = tpu.vector_load %arg7[%get3A_169, %get3A_170, %get3A_171] {strides = array<i32>} : memref<2x4x64xi32, #tpu.memory_space<vmem>>, vector<16xi32>,
        %get3A_173 = arith.constant 1 : i32
        %get3A_174 = arith.constant 0 : i32
        %get3A_175 = arith.index_cast %get3A_173 : i32 to index
        %get3A_176 = arith.index_cast %get3A_174 : i32 to index
        %get3A_177 = arith.constant 16 : index
        %get3A_178 = tpu.vector_load %arg8[%get3A_175, %get3A_176, %get3A_177] {strides = array<i32>} : memref<2x4x64xf32, #tpu.memory_space<vmem>>, vector<16xf32>,
        %broadcast_in_dim3A_179 = arith.constant 0 : i32
        %broadcast_in_dim3A_180 = vector.broadcast %broadcast_in_dim3A_179 : i32 to vector<16xi32>
        %gather3A_181 = arith.constant 1 : i32
        %gather3A_182 = arith.constant 0 : i32
        %gather3A_183 = arith.constant 0 : i32
        %gather3A_184 = tpu.memref_slice %arg6[%gather3A_181, %gather3A_182, %gather3A_183] : memref<2x4x10000xf32, #tpu.memory_space<vmem>> -> memref<1x4x10000xf32, #tpu.memory_space<vmem>>
        %gather3A_185 = tpu.memref_squeeze %gather3A_184 : memref<1x4x10000xf32, #tpu.memory_space<vmem>> -> memref<4x10000xf32, #tpu.memory_space<vmem>>
        %gather3A_186 = tpu.vector_load_idx %gather3A_185[%broadcast_in_dim3A_180, %get3A_172] : memref<4x10000xf32, #tpu.memory_space<vmem>>[vector<16xi32>, vector<16xi32>], vector<16xf32>,
        %shift_right_arithmetic3A_187 = arith.constant 7 : i32
        %shift_right_arithmetic3A_188 = vector.broadcast %shift_right_arithmetic3A_187 : i32 to vector<16xi32>
        %shift_right_arithmetic3A_189 = arith.shrsi %get3A_172, %shift_right_arithmetic3A_188 : vector<16xi32>
        %and3A_190 = arith.constant 127 : i32
        %and3A_191 = vector.broadcast %and3A_190 : i32 to vector<16xi32>
        %and3A_192 = arith.andi %get3A_172, %and3A_191 : vector<16xi32>
        %mul3A_193 = arith.mulf %gather3A_186, %get3A_178 : vector<16xf32>
        tpu.vector_store_idx %arg9[%shift_right_arithmetic3A_189, %and3A_192], %mul3A_193 {add = true} : memref<80x128xf32, #tpu.memory_space<vmem>>[vector<16xi32>, vector<16xi32>], vector<16xf32>,
        %get3A_194 = arith.constant 1 : i32
        %get3A_195 = arith.constant 0 : i32
        %get3A_196 = arith.index_cast %get3A_194 : i32 to index
        %get3A_197 = arith.index_cast %get3A_195 : i32 to index
        %get3A_198 = arith.constant 32 : index
        %get3A_199 = tpu.vector_load %arg7[%get3A_196, %get3A_197, %get3A_198] {strides = array<i32>} : memref<2x4x64xi32, #tpu.memory_space<vmem>>, vector<16xi32>,
        %get3A_200 = arith.constant 1 : i32
        %get3A_201 = arith.constant 0 : i32
        %get3A_202 = arith.index_cast %get3A_200 : i32 to index
        %get3A_203 = arith.index_cast %get3A_201 : i32 to index
        %get3A_204 = arith.constant 32 : index
        %get3A_205 = tpu.vector_load %arg8[%get3A_202, %get3A_203, %get3A_204] {strides = array<i32>} : memref<2x4x64xf32, #tpu.memory_space<vmem>>, vector<16xf32>,
        %broadcast_in_dim3A_206 = arith.constant 0 : i32
        %broadcast_in_dim3A_207 = vector.broadcast %broadcast_in_dim3A_206 : i32 to vector<16xi32>
        %gather3A_208 = arith.constant 1 : i32
        %gather3A_209 = arith.constant 0 : i32
        %gather3A_210 = arith.constant 0 : i32
        %gather3A_211 = tpu.memref_slice %arg6[%gather3A_208, %gather3A_209, %gather3A_210] : memref<2x4x10000xf32, #tpu.memory_space<vmem>> -> memref<1x4x10000xf32, #tpu.memory_space<vmem>>
        %gather3A_212 = tpu.memref_squeeze %gather3A_211 : memref<1x4x10000xf32, #tpu.memory_space<vmem>> -> memref<4x10000xf32, #tpu.memory_space<vmem>>
        %gather3A_213 = tpu.vector_load_idx %gather3A_212[%broadcast_in_dim3A_207, %get3A_199] : memref<4x10000xf32, #tpu.memory_space<vmem>>[vector<16xi32>, vector<16xi32>], vector<16xf32>,
        %shift_right_arithmetic3A_214 = arith.constant 7 : i32
        %shift_right_arithmetic3A_215 = vector.broadcast %shift_right_arithmetic3A_214 : i32 to vector<16xi32>
        %shift_right_arithmetic3A_216 = arith.shrsi %get3A_199, %shift_right_arithmetic3A_215 : vector<16xi32>
        %and3A_217 = arith.constant 127 : i32
        %and3A_218 = vector.broadcast %and3A_217 : i32 to vector<16xi32>
        %and3A_219 = arith.andi %get3A_199, %and3A_218 : vector<16xi32>
        %mul3A_220 = arith.mulf %gather3A_213, %get3A_205 : vector<16xf32>
        tpu.vector_store_idx %arg9[%shift_right_arithmetic3A_216, %and3A_219], %mul3A_220 {add = true} : memref<80x128xf32, #tpu.memory_space<vmem>>[vector<16xi32>, vector<16xi32>], vector<16xf32>,
        %get3A_221 = arith.constant 1 : i32
        %get3A_222 = arith.constant 0 : i32
        %get3A_223 = arith.index_cast %get3A_221 : i32 to index
        %get3A_224 = arith.index_cast %get3A_222 : i32 to index
        %get3A_225 = arith.constant 48 : index
        %get3A_226 = tpu.vector_load %arg7[%get3A_223, %get3A_224, %get3A_225] {strides = array<i32>} : memref<2x4x64xi32, #tpu.memory_space<vmem>>, vector<16xi32>,
        %get3A_227 = arith.constant 1 : i32
        %get3A_228 = arith.constant 0 : i32
        %get3A_229 = arith.index_cast %get3A_227 : i32 to index
        %get3A_230 = arith.index_cast %get3A_228 : i32 to index
        %get3A_231 = arith.constant 48 : index
        %get3A_232 = tpu.vector_load %arg8[%get3A_229, %get3A_230, %get3A_231] {strides = array<i32>} : memref<2x4x64xf32, #tpu.memory_space<vmem>>, vector<16xf32>,
        %broadcast_in_dim3A_233 = arith.constant 0 : i32
        %broadcast_in_dim3A_234 = vector.broadcast %broadcast_in_dim3A_233 : i32 to vector<16xi32>
        %gather3A_235 = arith.constant 1 : i32
        %gather3A_236 = arith.constant 0 : i32
        %gather3A_237 = arith.constant 0 : i32
        %gather3A_238 = tpu.memref_slice %arg6[%gather3A_235, %gather3A_236, %gather3A_237] : memref<2x4x10000xf32, #tpu.memory_space<vmem>> -> memref<1x4x10000xf32, #tpu.memory_space<vmem>>
        %gather3A_239 = tpu.memref_squeeze %gather3A_238 : memref<1x4x10000xf32, #tpu.memory_space<vmem>> -> memref<4x10000xf32, #tpu.memory_space<vmem>>
        %gather3A_240 = tpu.vector_load_idx %gather3A_239[%broadcast_in_dim3A_234, %get3A_226] : memref<4x10000xf32, #tpu.memory_space<vmem>>[vector<16xi32>, vector<16xi32>], vector<16xf32>,
        %shift_right_arithmetic3A_241 = arith.constant 7 : i32
        %shift_right_arithmetic3A_242 = vector.broadcast %shift_right_arithmetic3A_241 : i32 to vector<16xi32>
        %shift_right_arithmetic3A_243 = arith.shrsi %get3A_226, %shift_right_arithmetic3A_242 : vector<16xi32>
        %and3A_244 = arith.constant 127 : i32
        %and3A_245 = vector.broadcast %and3A_244 : i32 to vector<16xi32>
        %and3A_246 = arith.andi %get3A_226, %and3A_245 : vector<16xi32>
        %mul3A_247 = arith.mulf %gather3A_240, %get3A_232 : vector<16xf32>
        tpu.vector_store_idx %arg9[%shift_right_arithmetic3A_243, %and3A_246], %mul3A_247 {add = true} : memref<80x128xf32, #tpu.memory_space<vmem>>[vector<16xi32>, vector<16xi32>], vector<16xf32>,
        %get3A_248 = arith.constant 1 : i32
        %get3A_249 = arith.constant 1 : i32
        %get3A_250 = arith.index_cast %get3A_248 : i32 to index
        %get3A_251 = arith.index_cast %get3A_249 : i32 to index
        %get3A_252 = arith.constant 0 : index
        %get3A_253 = tpu.vector_load %arg7[%get3A_250, %get3A_251, %get3A_252] {strides = array<i32>} : memref<2x4x64xi32, #tpu.memory_space<vmem>>, vector<16xi32>,
        %get3A_254 = arith.constant 1 : i32
        %get3A_255 = arith.constant 1 : i32
        %get3A_256 = arith.index_cast %get3A_254 : i32 to index
        %get3A_257 = arith.index_cast %get3A_255 : i32 to index
        %get3A_258 = arith.constant 0 : index
        %get3A_259 = tpu.vector_load %arg8[%get3A_256, %get3A_257, %get3A_258] {strides = array<i32>} : memref<2x4x64xf32, #tpu.memory_space<vmem>>, vector<16xf32>,
        %broadcast_in_dim3A_260 = arith.constant 1 : i32
        %broadcast_in_dim3A_261 = vector.broadcast %broadcast_in_dim3A_260 : i32 to vector<16xi32>
        %gather3A_262 = arith.constant 1 : i32
        %gather3A_263 = arith.constant 0 : i32
        %gather3A_264 = arith.constant 0 : i32
        %gather3A_265 = tpu.memref_slice %arg6[%gather3A_262, %gather3A_263, %gather3A_264] : memref<2x4x10000xf32, #tpu.memory_space<vmem>> -> memref<1x4x10000xf32, #tpu.memory_space<vmem>>
        %gather3A_266 = tpu.memref_squeeze %gather3A_265 : memref<1x4x10000xf32, #tpu.memory_space<vmem>> -> memref<4x10000xf32, #tpu.memory_space<vmem>>
        %gather3A_267 = tpu.vector_load_idx %gather3A_266[%broadcast_in_dim3A_261, %get3A_253] : memref<4x10000xf32, #tpu.memory_space<vmem>>[vector<16xi32>, vector<16xi32>], vector<16xf32>,
        %shift_right_arithmetic3A_268 = arith.constant 7 : i32
        %shift_right_arithmetic3A_269 = vector.broadcast %shift_right_arithmetic3A_268 : i32 to vector<16xi32>
        %shift_right_arithmetic3A_270 = arith.shrsi %get3A_253, %shift_right_arithmetic3A_269 : vector<16xi32>
        %and3A_271 = arith.constant 127 : i32
        %and3A_272 = vector.broadcast %and3A_271 : i32 to vector<16xi32>
        %and3A_273 = arith.andi %get3A_253, %and3A_272 : vector<16xi32>
        %mul3A_274 = arith.mulf %gather3A_267, %get3A_259 : vector<16xf32>
        tpu.vector_store_idx %arg9[%shift_right_arithmetic3A_270, %and3A_273], %mul3A_274 {add = true} : memref<80x128xf32, #tpu.memory_space<vmem>>[vector<16xi32>, vector<16xi32>], vector<16xf32>,
        %get3A_275 = arith.constant 1 : i32
        %get3A_276 = arith.constant 1 : i32
        %get3A_277 = arith.index_cast %get3A_275 : i32 to index
        %get3A_278 = arith.index_cast %get3A_276 : i32 to index
        %get3A_279 = arith.constant 16 : index
        %get3A_280 = tpu.vector_load %arg7[%get3A_277, %get3A_278, %get3A_279] {strides = array<i32>} : memref<2x4x64xi32, #tpu.memory_space<vmem>>, vector<16xi32>,
        %get3A_281 = arith.constant 1 : i32
        %get3A_282 = arith.constant 1 : i32
        %get3A_283 = arith.index_cast %get3A_281 : i32 to index
        %get3A_284 = arith.index_cast %get3A_282 : i32 to index
        %get3A_285 = arith.constant 16 : index
        %get3A_286 = tpu.vector_load %arg8[%get3A_283, %get3A_284, %get3A_285] {strides = array<i32>} : memref<2x4x64xf32, #tpu.memory_space<vmem>>, vector<16xf32>,
        %broadcast_in_dim3A_287 = arith.constant 1 : i32
        %broadcast_in_dim3A_288 = vector.broadcast %broadcast_in_dim3A_287 : i32 to vector<16xi32>
        %gather3A_289 = arith.constant 1 : i32
        %gather3A_290 = arith.constant 0 : i32
        %gather3A_291 = arith.constant 0 : i32
        %gather3A_292 = tpu.memref_slice %arg6[%gather3A_289, %gather3A_290, %gather3A_291] : memref<2x4x10000xf32, #tpu.memory_space<vmem>> -> memref<1x4x10000xf32, #tpu.memory_space<vmem>>
        %gather3A_293 = tpu.memref_squeeze %gather3A_292 : memref<1x4x10000xf32, #tpu.memory_space<vmem>> -> memref<4x10000xf32, #tpu.memory_space<vmem>>
        %gather3A_294 = tpu.vector_load_idx %gather3A_293[%broadcast_in_dim3A_288, %get3A_280] : memref<4x10000xf32, #tpu.memory_space<vmem>>[vector<16xi32>, vector<16xi32>], vector<16xf32>,
        %shift_right_arithmetic3A_295 = arith.constant 7 : i32
        %shift_right_arithmetic3A_296 = vector.broadcast %shift_right_arithmetic3A_295 : i32 to vector<16xi32>
        %shift_right_arithmetic3A_297 = arith.shrsi %get3A_280, %shift_right_arithmetic3A_296 : vector<16xi32>
        %and3A_298 = arith.constant 127 : i32
        %and3A_299 = vector.broadcast %and3A_298 : i32 to vector<16xi32>
        %and3A_300 = arith.andi %get3A_280, %and3A_299 : vector<16xi32>
        %mul3A_301 = arith.mulf %gather3A_294, %get3A_286 : vector<16xf32>
        tpu.vector_store_idx %arg9[%shift_right_arithmetic3A_297, %and3A_300], %mul3A_301 {add = true} : memref<80x128xf32, #tpu.memory_space<vmem>>[vector<16xi32>, vector<16xi32>], vector<16xf32>,
        %get3A_302 = arith.constant 1 : i32
        %get3A_303 = arith.constant 1 : i32
        %get3A_304 = arith.index_cast %get3A_302 : i32 to index
        %get3A_305 = arith.index_cast %get3A_303 : i32 to index
        %get3A_306 = arith.constant 32 : index
        %get3A_307 = tpu.vector_load %arg7[%get3A_304, %get3A_305, %get3A_306] {strides = array<i32>} : memref<2x4x64xi32, #tpu.memory_space<vmem>>, vector<16xi32>,
        %get3A_308 = arith.constant 1 : i32
        %get3A_309 = arith.constant 1 : i32
        %get3A_310 = arith.index_cast %get3A_308 : i32 to index
        %get3A_311 = arith.index_cast %get3A_309 : i32 to index
        %get3A_312 = arith.constant 32 : index
        %get3A_313 = tpu.vector_load %arg8[%get3A_310, %get3A_311, %get3A_312] {strides = array<i32>} : memref<2x4x64xf32, #tpu.memory_space<vmem>>, vector<16xf32>,
        %broadcast_in_dim3A_314 = arith.constant 1 : i32
        %broadcast_in_dim3A_315 = vector.broadcast %broadcast_in_dim3A_314 : i32 to vector<16xi32>
        %gather3A_316 = arith.constant 1 : i32
        %gather3A_317 = arith.constant 0 : i32
        %gather3A_318 = arith.constant 0 : i32
        %gather3A_319 = tpu.memref_slice %arg6[%gather3A_316, %gather3A_317, %gather3A_318] : memref<2x4x10000xf32, #tpu.memory_space<vmem>> -> memref<1x4x10000xf32, #tpu.memory_space<vmem>>
        %gather3A_320 = tpu.memref_squeeze %gather3A_319 : memref<1x4x10000xf32, #tpu.memory_space<vmem>> -> memref<4x10000xf32, #tpu.memory_space<vmem>>
        %gather3A_321 = tpu.vector_load_idx %gather3A_320[%broadcast_in_dim3A_315, %get3A_307] : memref<4x10000xf32, #tpu.memory_space<vmem>>[vector<16xi32>, vector<16xi32>], vector<16xf32>,
        %shift_right_arithmetic3A_322 = arith.constant 7 : i32
        %shift_right_arithmetic3A_323 = vector.broadcast %shift_right_arithmetic3A_322 : i32 to vector<16xi32>
        %shift_right_arithmetic3A_324 = arith.shrsi %get3A_307, %shift_right_arithmetic3A_323 : vector<16xi32>
        %and3A_325 = arith.constant 127 : i32
        %and3A_326 = vector.broadcast %and3A_325 : i32 to vector<16xi32>
        %and3A_327 = arith.andi %get3A_307, %and3A_326 : vector<16xi32>
        %mul3A_328 = arith.mulf %gather3A_321, %get3A_313 : vector<16xf32>
        tpu.vector_store_idx %arg9[%shift_right_arithmetic3A_324, %and3A_327], %mul3A_328 {add = true} : memref<80x128xf32, #tpu.memory_space<vmem>>[vector<16xi32>, vector<16xi32>], vector<16xf32>,
        %get3A_329 = arith.constant 1 : i32
        %get3A_330 = arith.constant 1 : i32
        %get3A_331 = arith.index_cast %get3A_329 : i32 to index
        %get3A_332 = arith.index_cast %get3A_330 : i32 to index
        %get3A_333 = arith.constant 48 : index
        %get3A_334 = tpu.vector_load %arg7[%get3A_331, %get3A_332, %get3A_333] {strides = array<i32>} : memref<2x4x64xi32, #tpu.memory_space<vmem>>, vector<16xi32>,
        %get3A_335 = arith.constant 1 : i32
        %get3A_336 = arith.constant 1 : i32
        %get3A_337 = arith.index_cast %get3A_335 : i32 to index
        %get3A_338 = arith.index_cast %get3A_336 : i32 to index
        %get3A_339 = arith.constant 48 : index
        %get3A_340 = tpu.vector_load %arg8[%get3A_337, %get3A_338, %get3A_339] {strides = array<i32>} : memref<2x4x64xf32, #tpu.memory_space<vmem>>, vector<16xf32>,
        %broadcast_in_dim3A_341 = arith.constant 1 : i32
        %broadcast_in_dim3A_342 = vector.broadcast %broadcast_in_dim3A_341 : i32 to vector<16xi32>
        %gather3A_343 = arith.constant 1 : i32
        %gather3A_344 = arith.constant 0 : i32
        %gather3A_345 = arith.constant 0 : i32
        %gather3A_346 = tpu.memref_slice %arg6[%gather3A_343, %gather3A_344, %gather3A_345] : memref<2x4x10000xf32, #tpu.memory_space<vmem>> -> memref<1x4x10000xf32, #tpu.memory_space<vmem>>
        %gather3A_347 = tpu.memref_squeeze %gather3A_346 : memref<1x4x10000xf32, #tpu.memory_space<vmem>> -> memref<4x10000xf32, #tpu.memory_space<vmem>>
        %gather3A_348 = tpu.vector_load_idx %gather3A_347[%broadcast_in_dim3A_342, %get3A_334] : memref<4x10000xf32, #tpu.memory_space<vmem>>[vector<16xi32>, vector<16xi32>], vector<16xf32>,
        %shift_right_arithmetic3A_349 = arith.constant 7 : i32
        %shift_right_arithmetic3A_350 = vector.broadcast %shift_right_arithmetic3A_349 : i32 to vector<16xi32>
        %shift_right_arithmetic3A_351 = arith.shrsi %get3A_334, %shift_right_arithmetic3A_350 : vector<16xi32>
        %and3A_352 = arith.constant 127 : i32
        %and3A_353 = vector.broadcast %and3A_352 : i32 to vector<16xi32>
        %and3A_354 = arith.andi %get3A_334, %and3A_353 : vector<16xi32>
        %mul3A_355 = arith.mulf %gather3A_348, %get3A_340 : vector<16xf32>
        tpu.vector_store_idx %arg9[%shift_right_arithmetic3A_351, %and3A_354], %mul3A_355 {add = true} : memref<80x128xf32, #tpu.memory_space<vmem>>[vector<16xi32>, vector<16xi32>], vector<16xf32>,
        %get3A_356 = arith.constant 1 : i32
        %get3A_357 = arith.constant 2 : i32
        %get3A_358 = arith.index_cast %get3A_356 : i32 to index
        %get3A_359 = arith.index_cast %get3A_357 : i32 to index
        %get3A_360 = arith.constant 0 : index
        %get3A_361 = tpu.vector_load %arg7[%get3A_358, %get3A_359, %get3A_360] {strides = array<i32>} : memref<2x4x64xi32, #tpu.memory_space<vmem>>, vector<16xi32>,
        %get3A_362 = arith.constant 1 : i32
        %get3A_363 = arith.constant 2 : i32
        %get3A_364 = arith.index_cast %get3A_362 : i32 to index
        %get3A_365 = arith.index_cast %get3A_363 : i32 to index
        %get3A_366 = arith.constant 0 : index
        %get3A_367 = tpu.vector_load %arg8[%get3A_364, %get3A_365, %get3A_366] {strides = array<i32>} : memref<2x4x64xf32, #tpu.memory_space<vmem>>, vector<16xf32>,
        %broadcast_in_dim3A_368 = arith.constant 2 : i32
        %broadcast_in_dim3A_369 = vector.broadcast %broadcast_in_dim3A_368 : i32 to vector<16xi32>
        %gather3A_370 = arith.constant 1 : i32
        %gather3A_371 = arith.constant 0 : i32
        %gather3A_372 = arith.constant 0 : i32
        %gather3A_373 = tpu.memref_slice %arg6[%gather3A_370, %gather3A_371, %gather3A_372] : memref<2x4x10000xf32, #tpu.memory_space<vmem>> -> memref<1x4x10000xf32, #tpu.memory_space<vmem>>
        %gather3A_374 = tpu.memref_squeeze %gather3A_373 : memref<1x4x10000xf32, #tpu.memory_space<vmem>> -> memref<4x10000xf32, #tpu.memory_space<vmem>>
        %gather3A_375 = tpu.vector_load_idx %gather3A_374[%broadcast_in_dim3A_369, %get3A_361] : memref<4x10000xf32, #tpu.memory_space<vmem>>[vector<16xi32>, vector<16xi32>], vector<16xf32>,
        %shift_right_arithmetic3A_376 = arith.constant 7 : i32
        %shift_right_arithmetic3A_377 = vector.broadcast %shift_right_arithmetic3A_376 : i32 to vector<16xi32>
        %shift_right_arithmetic3A_378 = arith.shrsi %get3A_361, %shift_right_arithmetic3A_377 : vector<16xi32>
        %and3A_379 = arith.constant 127 : i32
        %and3A_380 = vector.broadcast %and3A_379 : i32 to vector<16xi32>
        %and3A_381 = arith.andi %get3A_361, %and3A_380 : vector<16xi32>
        %mul3A_382 = arith.mulf %gather3A_375, %get3A_367 : vector<16xf32>
        tpu.vector_store_idx %arg9[%shift_right_arithmetic3A_378, %and3A_381], %mul3A_382 {add = true} : memref<80x128xf32, #tpu.memory_space<vmem>>[vector<16xi32>, vector<16xi32>], vector<16xf32>,
        %get3A_383 = arith.constant 1 : i32
        %get3A_384 = arith.constant 2 : i32
        %get3A_385 = arith.index_cast %get3A_383 : i32 to index
        %get3A_386 = arith.index_cast %get3A_384 : i32 to index
        %get3A_387 = arith.constant 16 : index
        %get3A_388 = tpu.vector_load %arg7[%get3A_385, %get3A_386, %get3A_387] {strides = array<i32>} : memref<2x4x64xi32, #tpu.memory_space<vmem>>, vector<16xi32>,
        %get3A_389 = arith.constant 1 : i32
        %get3A_390 = arith.constant 2 : i32
        %get3A_391 = arith.index_cast %get3A_389 : i32 to index
        %get3A_392 = arith.index_cast %get3A_390 : i32 to index
        %get3A_393 = arith.constant 16 : index
        %get3A_394 = tpu.vector_load %arg8[%get3A_391, %get3A_392, %get3A_393] {strides = array<i32>} : memref<2x4x64xf32, #tpu.memory_space<vmem>>, vector<16xf32>,
        %broadcast_in_dim3A_395 = arith.constant 2 : i32
        %broadcast_in_dim3A_396 = vector.broadcast %broadcast_in_dim3A_395 : i32 to vector<16xi32>
        %gather3A_397 = arith.constant 1 : i32
        %gather3A_398 = arith.constant 0 : i32
        %gather3A_399 = arith.constant 0 : i32
        %gather3A_400 = tpu.memref_slice %arg6[%gather3A_397, %gather3A_398, %gather3A_399] : memref<2x4x10000xf32, #tpu.memory_space<vmem>> -> memref<1x4x10000xf32, #tpu.memory_space<vmem>>
        %gather3A_401 = tpu.memref_squeeze %gather3A_400 : memref<1x4x10000xf32, #tpu.memory_space<vmem>> -> memref<4x10000xf32, #tpu.memory_space<vmem>>
        %gather3A_402 = tpu.vector_load_idx %gather3A_401[%broadcast_in_dim3A_396, %get3A_388] : memref<4x10000xf32, #tpu.memory_space<vmem>>[vector<16xi32>, vector<16xi32>], vector<16xf32>,
        %shift_right_arithmetic3A_403 = arith.constant 7 : i32
        %shift_right_arithmetic3A_404 = vector.broadcast %shift_right_arithmetic3A_403 : i32 to vector<16xi32>
        %shift_right_arithmetic3A_405 = arith.shrsi %get3A_388, %shift_right_arithmetic3A_404 : vector<16xi32>
        %and3A_406 = arith.constant 127 : i32
        %and3A_407 = vector.broadcast %and3A_406 : i32 to vector<16xi32>
        %and3A_408 = arith.andi %get3A_388, %and3A_407 : vector<16xi32>
        %mul3A_409 = arith.mulf %gather3A_402, %get3A_394 : vector<16xf32>
        tpu.vector_store_idx %arg9[%shift_right_arithmetic3A_405, %and3A_408], %mul3A_409 {add = true} : memref<80x128xf32, #tpu.memory_space<vmem>>[vector<16xi32>, vector<16xi32>], vector<16xf32>,
        %get3A_410 = arith.constant 1 : i32
        %get3A_411 = arith.constant 2 : i32
        %get3A_412 = arith.index_cast %get3A_410 : i32 to index
        %get3A_413 = arith.index_cast %get3A_411 : i32 to index
        %get3A_414 = arith.constant 32 : index
        %get3A_415 = tpu.vector_load %arg7[%get3A_412, %get3A_413, %get3A_414] {strides = array<i32>} : memref<2x4x64xi32, #tpu.memory_space<vmem>>, vector<16xi32>,
        %get3A_416 = arith.constant 1 : i32
        %get3A_417 = arith.constant 2 : i32
        %get3A_418 = arith.index_cast %get3A_416 : i32 to index
        %get3A_419 = arith.index_cast %get3A_417 : i32 to index
        %get3A_420 = arith.constant 32 : index
        %get3A_421 = tpu.vector_load %arg8[%get3A_418, %get3A_419, %get3A_420] {strides = array<i32>} : memref<2x4x64xf32, #tpu.memory_space<vmem>>, vector<16xf32>,
        %broadcast_in_dim3A_422 = arith.constant 2 : i32
        %broadcast_in_dim3A_423 = vector.broadcast %broadcast_in_dim3A_422 : i32 to vector<16xi32>
        %gather3A_424 = arith.constant 1 : i32
        %gather3A_425 = arith.constant 0 : i32
        %gather3A_426 = arith.constant 0 : i32
        %gather3A_427 = tpu.memref_slice %arg6[%gather3A_424, %gather3A_425, %gather3A_426] : memref<2x4x10000xf32, #tpu.memory_space<vmem>> -> memref<1x4x10000xf32, #tpu.memory_space<vmem>>
        %gather3A_428 = tpu.memref_squeeze %gather3A_427 : memref<1x4x10000xf32, #tpu.memory_space<vmem>> -> memref<4x10000xf32, #tpu.memory_space<vmem>>
        %gather3A_429 = tpu.vector_load_idx %gather3A_428[%broadcast_in_dim3A_423, %get3A_415] : memref<4x10000xf32, #tpu.memory_space<vmem>>[vector<16xi32>, vector<16xi32>], vector<16xf32>,
        %shift_right_arithmetic3A_430 = arith.constant 7 : i32
        %shift_right_arithmetic3A_431 = vector.broadcast %shift_right_arithmetic3A_430 : i32 to vector<16xi32>
        %shift_right_arithmetic3A_432 = arith.shrsi %get3A_415, %shift_right_arithmetic3A_431 : vector<16xi32>
        %and3A_433 = arith.constant 127 : i32
        %and3A_434 = vector.broadcast %and3A_433 : i32 to vector<16xi32>
        %and3A_435 = arith.andi %get3A_415, %and3A_434 : vector<16xi32>
        %mul3A_436 = arith.mulf %gather3A_429, %get3A_421 : vector<16xf32>
        tpu.vector_store_idx %arg9[%shift_right_arithmetic3A_432, %and3A_435], %mul3A_436 {add = true} : memref<80x128xf32, #tpu.memory_space<vmem>>[vector<16xi32>, vector<16xi32>], vector<16xf32>,
        %get3A_437 = arith.constant 1 : i32
        %get3A_438 = arith.constant 2 : i32
        %get3A_439 = arith.index_cast %get3A_437 : i32 to index
        %get3A_440 = arith.index_cast %get3A_438 : i32 to index
        %get3A_441 = arith.constant 48 : index
        %get3A_442 = tpu.vector_load %arg7[%get3A_439, %get3A_440, %get3A_441] {strides = array<i32>} : memref<2x4x64xi32, #tpu.memory_space<vmem>>, vector<16xi32>,
        %get3A_443 = arith.constant 1 : i32
        %get3A_444 = arith.constant 2 : i32
        %get3A_445 = arith.index_cast %get3A_443 : i32 to index
        %get3A_446 = arith.index_cast %get3A_444 : i32 to index
        %get3A_447 = arith.constant 48 : index
        %get3A_448 = tpu.vector_load %arg8[%get3A_445, %get3A_446, %get3A_447] {strides = array<i32>} : memref<2x4x64xf32, #tpu.memory_space<vmem>>, vector<16xf32>,
        %broadcast_in_dim3A_449 = arith.constant 2 : i32
        %broadcast_in_dim3A_450 = vector.broadcast %broadcast_in_dim3A_449 : i32 to vector<16xi32>
        %gather3A_451 = arith.constant 1 : i32
        %gather3A_452 = arith.constant 0 : i32
        %gather3A_453 = arith.constant 0 : i32
        %gather3A_454 = tpu.memref_slice %arg6[%gather3A_451, %gather3A_452, %gather3A_453] : memref<2x4x10000xf32, #tpu.memory_space<vmem>> -> memref<1x4x10000xf32, #tpu.memory_space<vmem>>
        %gather3A_455 = tpu.memref_squeeze %gather3A_454 : memref<1x4x10000xf32, #tpu.memory_space<vmem>> -> memref<4x10000xf32, #tpu.memory_space<vmem>>
        %gather3A_456 = tpu.vector_load_idx %gather3A_455[%broadcast_in_dim3A_450, %get3A_442] : memref<4x10000xf32, #tpu.memory_space<vmem>>[vector<16xi32>, vector<16xi32>], vector<16xf32>,
        %shift_right_arithmetic3A_457 = arith.constant 7 : i32
        %shift_right_arithmetic3A_458 = vector.broadcast %shift_right_arithmetic3A_457 : i32 to vector<16xi32>
        %shift_right_arithmetic3A_459 = arith.shrsi %get3A_442, %shift_right_arithmetic3A_458 : vector<16xi32>
        %and3A_460 = arith.constant 127 : i32
        %and3A_461 = vector.broadcast %and3A_460 : i32 to vector<16xi32>
        %and3A_462 = arith.andi %get3A_442, %and3A_461 : vector<16xi32>
        %mul3A_463 = arith.mulf %gather3A_456, %get3A_448 : vector<16xf32>
        tpu.vector_store_idx %arg9[%shift_right_arithmetic3A_459, %and3A_462], %mul3A_463 {add = true} : memref<80x128xf32, #tpu.memory_space<vmem>>[vector<16xi32>, vector<16xi32>], vector<16xf32>,
        %get3A_464 = arith.constant 1 : i32
        %get3A_465 = arith.constant 3 : i32
        %get3A_466 = arith.index_cast %get3A_464 : i32 to index
        %get3A_467 = arith.index_cast %get3A_465 : i32 to index
        %get3A_468 = arith.constant 0 : index
        %get3A_469 = tpu.vector_load %arg7[%get3A_466, %get3A_467, %get3A_468] {strides = array<i32>} : memref<2x4x64xi32, #tpu.memory_space<vmem>>, vector<16xi32>,
        %get3A_470 = arith.constant 1 : i32
        %get3A_471 = arith.constant 3 : i32
        %get3A_472 = arith.index_cast %get3A_470 : i32 to index
        %get3A_473 = arith.index_cast %get3A_471 : i32 to index
        %get3A_474 = arith.constant 0 : index
        %get3A_475 = tpu.vector_load %arg8[%get3A_472, %get3A_473, %get3A_474] {strides = array<i32>} : memref<2x4x64xf32, #tpu.memory_space<vmem>>, vector<16xf32>,
        %broadcast_in_dim3A_476 = arith.constant 3 : i32
        %broadcast_in_dim3A_477 = vector.broadcast %broadcast_in_dim3A_476 : i32 to vector<16xi32>
        %gather3A_478 = arith.constant 1 : i32
        %gather3A_479 = arith.constant 0 : i32
        %gather3A_480 = arith.constant 0 : i32
        %gather3A_481 = tpu.memref_slice %arg6[%gather3A_478, %gather3A_479, %gather3A_480] : memref<2x4x10000xf32, #tpu.memory_space<vmem>> -> memref<1x4x10000xf32, #tpu.memory_space<vmem>>
        %gather3A_482 = tpu.memref_squeeze %gather3A_481 : memref<1x4x10000xf32, #tpu.memory_space<vmem>> -> memref<4x10000xf32, #tpu.memory_space<vmem>>
        %gather3A_483 = tpu.vector_load_idx %gather3A_482[%broadcast_in_dim3A_477, %get3A_469] : memref<4x10000xf32, #tpu.memory_space<vmem>>[vector<16xi32>, vector<16xi32>], vector<16xf32>,
        %shift_right_arithmetic3A_484 = arith.constant 7 : i32
        %shift_right_arithmetic3A_485 = vector.broadcast %shift_right_arithmetic3A_484 : i32 to vector<16xi32>
        %shift_right_arithmetic3A_486 = arith.shrsi %get3A_469, %shift_right_arithmetic3A_485 : vector<16xi32>
        %and3A_487 = arith.constant 127 : i32
        %and3A_488 = vector.broadcast %and3A_487 : i32 to vector<16xi32>
        %and3A_489 = arith.andi %get3A_469, %and3A_488 : vector<16xi32>
        %mul3A_490 = arith.mulf %gather3A_483, %get3A_475 : vector<16xf32>
        tpu.vector_store_idx %arg9[%shift_right_arithmetic3A_486, %and3A_489], %mul3A_490 {add = true} : memref<80x128xf32, #tpu.memory_space<vmem>>[vector<16xi32>, vector<16xi32>], vector<16xf32>,
        %get3A_491 = arith.constant 1 : i32
        %get3A_492 = arith.constant 3 : i32
        %get3A_493 = arith.index_cast %get3A_491 : i32 to index
        %get3A_494 = arith.index_cast %get3A_492 : i32 to index
        %get3A_495 = arith.constant 16 : index
        %get3A_496 = tpu.vector_load %arg7[%get3A_493, %get3A_494, %get3A_495] {strides = array<i32>} : memref<2x4x64xi32, #tpu.memory_space<vmem>>, vector<16xi32>,
        %get3A_497 = arith.constant 1 : i32
        %get3A_498 = arith.constant 3 : i32
        %get3A_499 = arith.index_cast %get3A_497 : i32 to index
        %get3A_500 = arith.index_cast %get3A_498 : i32 to index
        %get3A_501 = arith.constant 16 : index
        %get3A_502 = tpu.vector_load %arg8[%get3A_499, %get3A_500, %get3A_501] {strides = array<i32>} : memref<2x4x64xf32, #tpu.memory_space<vmem>>, vector<16xf32>,
        %broadcast_in_dim3A_503 = arith.constant 3 : i32
        %broadcast_in_dim3A_504 = vector.broadcast %broadcast_in_dim3A_503 : i32 to vector<16xi32>
        %gather3A_505 = arith.constant 1 : i32
        %gather3A_506 = arith.constant 0 : i32
        %gather3A_507 = arith.constant 0 : i32
        %gather3A_508 = tpu.memref_slice %arg6[%gather3A_505, %gather3A_506, %gather3A_507] : memref<2x4x10000xf32, #tpu.memory_space<vmem>> -> memref<1x4x10000xf32, #tpu.memory_space<vmem>>
        %gather3A_509 = tpu.memref_squeeze %gather3A_508 : memref<1x4x10000xf32, #tpu.memory_space<vmem>> -> memref<4x10000xf32, #tpu.memory_space<vmem>>
        %gather3A_510 = tpu.vector_load_idx %gather3A_509[%broadcast_in_dim3A_504, %get3A_496] : memref<4x10000xf32, #tpu.memory_space<vmem>>[vector<16xi32>, vector<16xi32>], vector<16xf32>,
        %shift_right_arithmetic3A_511 = arith.constant 7 : i32
        %shift_right_arithmetic3A_512 = vector.broadcast %shift_right_arithmetic3A_511 : i32 to vector<16xi32>
        %shift_right_arithmetic3A_513 = arith.shrsi %get3A_496, %shift_right_arithmetic3A_512 : vector<16xi32>
        %and3A_514 = arith.constant 127 : i32
        %and3A_515 = vector.broadcast %and3A_514 : i32 to vector<16xi32>
        %and3A_516 = arith.andi %get3A_496, %and3A_515 : vector<16xi32>
        %mul3A_517 = arith.mulf %gather3A_510, %get3A_502 : vector<16xf32>
        tpu.vector_store_idx %arg9[%shift_right_arithmetic3A_513, %and3A_516], %mul3A_517 {add = true} : memref<80x128xf32, #tpu.memory_space<vmem>>[vector<16xi32>, vector<16xi32>], vector<16xf32>,
        %get3A_518 = arith.constant 1 : i32
        %get3A_519 = arith.constant 3 : i32
        %get3A_520 = arith.index_cast %get3A_518 : i32 to index
        %get3A_521 = arith.index_cast %get3A_519 : i32 to index
        %get3A_522 = arith.constant 32 : index
        %get3A_523 = tpu.vector_load %arg7[%get3A_520, %get3A_521, %get3A_522] {strides = array<i32>} : memref<2x4x64xi32, #tpu.memory_space<vmem>>, vector<16xi32>,
        %get3A_524 = arith.constant 1 : i32
        %get3A_525 = arith.constant 3 : i32
        %get3A_526 = arith.index_cast %get3A_524 : i32 to index
        %get3A_527 = arith.index_cast %get3A_525 : i32 to index
        %get3A_528 = arith.constant 32 : index
        %get3A_529 = tpu.vector_load %arg8[%get3A_526, %get3A_527, %get3A_528] {strides = array<i32>} : memref<2x4x64xf32, #tpu.memory_space<vmem>>, vector<16xf32>,
        %broadcast_in_dim3A_530 = arith.constant 3 : i32
        %broadcast_in_dim3A_531 = vector.broadcast %broadcast_in_dim3A_530 : i32 to vector<16xi32>
        %gather3A_532 = arith.constant 1 : i32
        %gather3A_533 = arith.constant 0 : i32
        %gather3A_534 = arith.constant 0 : i32
        %gather3A_535 = tpu.memref_slice %arg6[%gather3A_532, %gather3A_533, %gather3A_534] : memref<2x4x10000xf32, #tpu.memory_space<vmem>> -> memref<1x4x10000xf32, #tpu.memory_space<vmem>>
        %gather3A_536 = tpu.memref_squeeze %gather3A_535 : memref<1x4x10000xf32, #tpu.memory_space<vmem>> -> memref<4x10000xf32, #tpu.memory_space<vmem>>
        %gather3A_537 = tpu.vector_load_idx %gather3A_536[%broadcast_in_dim3A_531, %get3A_523] : memref<4x10000xf32, #tpu.memory_space<vmem>>[vector<16xi32>, vector<16xi32>], vector<16xf32>,
        %shift_right_arithmetic3A_538 = arith.constant 7 : i32
        %shift_right_arithmetic3A_539 = vector.broadcast %shift_right_arithmetic3A_538 : i32 to vector<16xi32>
        %shift_right_arithmetic3A_540 = arith.shrsi %get3A_523, %shift_right_arithmetic3A_539 : vector<16xi32>
        %and3A_541 = arith.constant 127 : i32
        %and3A_542 = vector.broadcast %and3A_541 : i32 to vector<16xi32>
        %and3A_543 = arith.andi %get3A_523, %and3A_542 : vector<16xi32>
        %mul3A_544 = arith.mulf %gather3A_537, %get3A_529 : vector<16xf32>
        tpu.vector_store_idx %arg9[%shift_right_arithmetic3A_540, %and3A_543], %mul3A_544 {add = true} : memref<80x128xf32, #tpu.memory_space<vmem>>[vector<16xi32>, vector<16xi32>], vector<16xf32>,
        %get3A_545 = arith.constant 1 : i32
        %get3A_546 = arith.constant 3 : i32
        %get3A_547 = arith.index_cast %get3A_545 : i32 to index
        %get3A_548 = arith.index_cast %get3A_546 : i32 to index
        %get3A_549 = arith.constant 48 : index
        %get3A_550 = tpu.vector_load %arg7[%get3A_547, %get3A_548, %get3A_549] {strides = array<i32>} : memref<2x4x64xi32, #tpu.memory_space<vmem>>, vector<16xi32>,
        %get3A_551 = arith.constant 1 : i32
        %get3A_552 = arith.constant 3 : i32
        %get3A_553 = arith.index_cast %get3A_551 : i32 to index
        %get3A_554 = arith.index_cast %get3A_552 : i32 to index
        %get3A_555 = arith.constant 48 : index
        %get3A_556 = tpu.vector_load %arg8[%get3A_553, %get3A_554, %get3A_555] {strides = array<i32>} : memref<2x4x64xf32, #tpu.memory_space<vmem>>, vector<16xf32>,
        %broadcast_in_dim3A_557 = arith.constant 3 : i32
        %broadcast_in_dim3A_558 = vector.broadcast %broadcast_in_dim3A_557 : i32 to vector<16xi32>
        %gather3A_559 = arith.constant 1 : i32
        %gather3A_560 = arith.constant 0 : i32
        %gather3A_561 = arith.constant 0 : i32
        %gather3A_562 = tpu.memref_slice %arg6[%gather3A_559, %gather3A_560, %gather3A_561] : memref<2x4x10000xf32, #tpu.memory_space<vmem>> -> memref<1x4x10000xf32, #tpu.memory_space<vmem>>
        %gather3A_563 = tpu.memref_squeeze %gather3A_562 : memref<1x4x10000xf32, #tpu.memory_space<vmem>> -> memref<4x10000xf32, #tpu.memory_space<vmem>>
        %gather3A_564 = tpu.vector_load_idx %gather3A_563[%broadcast_in_dim3A_558, %get3A_550] : memref<4x10000xf32, #tpu.memory_space<vmem>>[vector<16xi32>, vector<16xi32>], vector<16xf32>,
        %shift_right_arithmetic3A_565 = arith.constant 7 : i32
        %shift_right_arithmetic3A_566 = vector.broadcast %shift_right_arithmetic3A_565 : i32 to vector<16xi32>
        %shift_right_arithmetic3A_567 = arith.shrsi %get3A_550, %shift_right_arithmetic3A_566 : vector<16xi32>
        %and3A_568 = arith.constant 127 : i32
        %and3A_569 = vector.broadcast %and3A_568 : i32 to vector<16xi32>
        %and3A_570 = arith.andi %get3A_550, %and3A_569 : vector<16xi32>
        %mul3A_571 = arith.mulf %gather3A_564, %get3A_556 : vector<16xf32>
        tpu.vector_store_idx %arg9[%shift_right_arithmetic3A_567, %and3A_570], %mul3A_571 {add = true} : memref<80x128xf32, #tpu.memory_space<vmem>>[vector<16xi32>, vector<16xi32>], vector<16xf32>,
      } else {
      }
      %add3A_88 = arith.constant 64 : i32
      %add3A_89 = arith.addi %add3A_82, %add3A_88 : i32
      %lt3A_90 = arith.constant 2500 : i32
      %lt3A_91 = arith.cmpi slt, %add3A_89, %lt3A_90 : i32
      %convert_element_type3A_92 = arith.extui %lt3A_91 : i1 to i32
      %cond3A_93 = arith.constant 0 : i32
      %cond3A_94 = arith.cmpi ne, %convert_element_type3A_92, %cond3A_93 : i32
      scf.if %cond3A_94 {
        %mul3A_95 = arith.constant 4 : i32
        %mul3A_96 = arith.muli %add3A_89, %mul3A_95 : i32
        %dma_start3A = arith.constant 1 : i32
        %dma_start3A_97 = arith.constant 1 : i32
        %dma_start3A_98 = arith.constant 0 : i32
        %dma_start3A_99 = arith.constant 0 : i32
        %dma_start3A_100 = tpu.memref_slice %arg6[%dma_start3A, %dma_start3A_98, %dma_start3A_99] : memref<2x4x10000xf32, #tpu.memory_space<vmem>> -> memref<1x4x10000xf32, #tpu.memory_space<vmem>>
        %dma_start3A_101 = tpu.memref_squeeze %dma_start3A_100 : memref<1x4x10000xf32, #tpu.memory_space<vmem>> -> memref<4x10000xf32, #tpu.memory_space<vmem>>
        %dma_start3A_102 = arith.constant 0 : i32
        %dma_start3A_103 = tpu.memref_slice %arg2[%mul3A_96, %dma_start3A_102] : memref<10000x10000xf32, #tpu.memory_space<hbm>> -> memref<4x10000xf32, #tpu.memory_space<hbm>>
        %dma_start3A_104 = tpu.memref_slice %arg12[%dma_start3A_97] : memref<2x!tpu.dma_semaphore, #tpu.memory_space<semaphore_mem>> -> memref<1x!tpu.dma_semaphore, #tpu.memory_space<semaphore_mem>>
        %dma_start3A_105 = tpu.memref_squeeze %dma_start3A_104 : memref<1x!tpu.dma_semaphore, #tpu.memory_space<semaphore_mem>> -> memref<!tpu.dma_semaphore, #tpu.memory_space<semaphore_mem>>
        %dma_start3A_106 = arith.constant 0 : i32
        %dma_start3A_107 = arith.constant 0 : i32
        %dma_start3A_108 = tpu.memref_slice %arg6[%dma_start3A, %dma_start3A_106, %dma_start3A_107] : memref<2x4x10000xf32, #tpu.memory_space<vmem>> -> memref<1x4x10000xf32, #tpu.memory_space<vmem>>
        %dma_start3A_109 = tpu.memref_squeeze %dma_start3A_108 : memref<1x4x10000xf32, #tpu.memory_space<vmem>> -> memref<4x10000xf32, #tpu.memory_space<vmem>>
        %dma_start3A_110 = arith.constant 0 : i32
        %dma_start3A_111 = tpu.memref_slice %arg2[%mul3A_96, %dma_start3A_110] : memref<10000x10000xf32, #tpu.memory_space<hbm>> -> memref<4x10000xf32, #tpu.memory_space<hbm>>
        tpu.enqueue_dma source(%dma_start3A_111 : memref<4x10000xf32, #tpu.memory_space<hbm>>) target(%dma_start3A_109 : memref<4x10000xf32, #tpu.memory_space<vmem>>) target_semaphore(%dma_start3A_105 : memref<!tpu.dma_semaphore, #tpu.memory_space<semaphore_mem>>)
        %dma_start3A_112 = arith.constant 1 : i32
        %dma_start3A_113 = arith.constant 1 : i32
        %dma_start3A_114 = arith.constant 0 : i32
        %dma_start3A_115 = arith.constant 0 : i32
        %dma_start3A_116 = tpu.memref_slice %arg7[%dma_start3A_112, %dma_start3A_114, %dma_start3A_115] : memref<2x4x64xi32, #tpu.memory_space<vmem>> -> memref<1x4x64xi32, #tpu.memory_space<vmem>>
        %dma_start3A_117 = tpu.memref_squeeze %dma_start3A_116 : memref<1x4x64xi32, #tpu.memory_space<vmem>> -> memref<4x64xi32, #tpu.memory_space<vmem>>
        %dma_start3A_118 = arith.constant 0 : i32
        %dma_start3A_119 = tpu.memref_slice %arg3[%mul3A_96, %dma_start3A_118] : memref<10000x64xi32, #tpu.memory_space<hbm>> -> memref<4x64xi32, #tpu.memory_space<hbm>>
        %dma_start3A_120 = tpu.memref_slice %arg12[%dma_start3A_113] : memref<2x!tpu.dma_semaphore, #tpu.memory_space<semaphore_mem>> -> memref<1x!tpu.dma_semaphore, #tpu.memory_space<semaphore_mem>>
        %dma_start3A_121 = tpu.memref_squeeze %dma_start3A_120 : memref<1x!tpu.dma_semaphore, #tpu.memory_space<semaphore_mem>> -> memref<!tpu.dma_semaphore, #tpu.memory_space<semaphore_mem>>
        %dma_start3A_122 = arith.constant 0 : i32
        %dma_start3A_123 = arith.constant 0 : i32
        %dma_start3A_124 = tpu.memref_slice %arg7[%dma_start3A_112, %dma_start3A_122, %dma_start3A_123] : memref<2x4x64xi32, #tpu.memory_space<vmem>> -> memref<1x4x64xi32, #tpu.memory_space<vmem>>
        %dma_start3A_125 = tpu.memref_squeeze %dma_start3A_124 : memref<1x4x64xi32, #tpu.memory_space<vmem>> -> memref<4x64xi32, #tpu.memory_space<vmem>>
        %dma_start3A_126 = arith.constant 0 : i32
        %dma_start3A_127 = tpu.memref_slice %arg3[%mul3A_96, %dma_start3A_126] : memref<10000x64xi32, #tpu.memory_space<hbm>> -> memref<4x64xi32, #tpu.memory_space<hbm>>
        tpu.enqueue_dma source(%dma_start3A_127 : memref<4x64xi32, #tpu.memory_space<hbm>>) target(%dma_start3A_125 : memref<4x64xi32, #tpu.memory_space<vmem>>) target_semaphore(%dma_start3A_121 : memref<!tpu.dma_semaphore, #tpu.memory_space<semaphore_mem>>)
        %dma_start3A_128 = arith.constant 1 : i32
        %dma_start3A_129 = arith.constant 1 : i32
        %dma_start3A_130 = arith.constant 0 : i32
        %dma_start3A_131 = arith.constant 0 : i32
        %dma_start3A_132 = tpu.memref_slice %arg8[%dma_start3A_128, %dma_start3A_130, %dma_start3A_131] : memref<2x4x64xf32, #tpu.memory_space<vmem>> -> memref<1x4x64xf32, #tpu.memory_space<vmem>>
        %dma_start3A_133 = tpu.memref_squeeze %dma_start3A_132 : memref<1x4x64xf32, #tpu.memory_space<vmem>> -> memref<4x64xf32, #tpu.memory_space<vmem>>
        %dma_start3A_134 = arith.constant 0 : i32
        %dma_start3A_135 = tpu.memref_slice %arg4[%mul3A_96, %dma_start3A_134] : memref<10000x64xf32, #tpu.memory_space<hbm>> -> memref<4x64xf32, #tpu.memory_space<hbm>>
        %dma_start3A_136 = tpu.memref_slice %arg12[%dma_start3A_129] : memref<2x!tpu.dma_semaphore, #tpu.memory_space<semaphore_mem>> -> memref<1x!tpu.dma_semaphore, #tpu.memory_space<semaphore_mem>>
        %dma_start3A_137 = tpu.memref_squeeze %dma_start3A_136 : memref<1x!tpu.dma_semaphore, #tpu.memory_space<semaphore_mem>> -> memref<!tpu.dma_semaphore, #tpu.memory_space<semaphore_mem>>
        %dma_start3A_138 = arith.constant 0 : i32
        %dma_start3A_139 = arith.constant 0 : i32
        %dma_start3A_140 = tpu.memref_slice %arg8[%dma_start3A_128, %dma_start3A_138, %dma_start3A_139] : memref<2x4x64xf32, #tpu.memory_space<vmem>> -> memref<1x4x64xf32, #tpu.memory_space<vmem>>
        %dma_start3A_141 = tpu.memref_squeeze %dma_start3A_140 : memref<1x4x64xf32, #tpu.memory_space<vmem>> -> memref<4x64xf32, #tpu.memory_space<vmem>>
        %dma_start3A_142 = arith.constant 0 : i32
        %dma_start3A_143 = tpu.memref_slice %arg4[%mul3A_96, %dma_start3A_142] : memref<10000x64xf32, #tpu.memory_space<hbm>> -> memref<4x64xf32, #tpu.memory_space<hbm>>
        tpu.enqueue_dma source(%dma_start3A_143 : memref<4x64xf32, #tpu.memory_space<hbm>>) target(%dma_start3A_141 : memref<4x64xf32, #tpu.memory_space<vmem>>) target_semaphore(%dma_start3A_137 : memref<!tpu.dma_semaphore, #tpu.memory_space<semaphore_mem>>)
      } else {
      }
    }
    %scan3A_49 = arith.constant 40 : i32
    %barrier3A = arith.constant 0 : index
    tpu.barrier barrier_id(%barrier3A)
    "tpu.region"() ({
      %run_scoped3A = tpu.sem_alloc : memref<!tpu.dma_semaphore, #tpu.memory_space<semaphore_mem>>
      %dma_start3A = arith.constant 0 : i32
      %dma_start3A_56 = arith.constant 0 : i32
      %dma_start3A_57 = tpu.memref_slice %arg11[%dma_start3A, %dma_start3A_56] : memref<80x128xf32, #tpu.memory_space<vmem_shared>> -> memref<80x128xf32, #tpu.memory_space<vmem_shared>>
      tpu.enqueue_indirect_dma source(%arg9 : memref<80x128xf32, #tpu.memory_space<vmem>>) target(%dma_start3A_57 : memref<80x128xf32, #tpu.memory_space<vmem_shared>>) offsets(%arg10 : memref<80xi32, #tpu.memory_space<vmem>>) semaphore(%run_scoped3A : memref<!tpu.dma_semaphore, #tpu.memory_space<semaphore_mem>>) {add = true}
      %dma_wait3A = arith.constant 0 : i32
      %dma_wait3A_58 = arith.constant 0 : i32
      %dma_wait3A_59 = tpu.memref_slice %arg11[%dma_wait3A, %dma_wait3A_58] : memref<80x128xf32, #tpu.memory_space<vmem_shared>> -> memref<80x128xf32, #tpu.memory_space<vmem_shared>>
      tpu.wait_indirect_dma semaphore(%run_scoped3A : memref<!tpu.dma_semaphore, #tpu.memory_space<semaphore_mem>>) src(%arg9 : memref<80x128xf32, #tpu.memory_space<vmem>>) dst(%dma_wait3A_59 : memref<80x128xf32, #tpu.memory_space<vmem_shared>>)
      tpu.yield
    }) : () -> ()
    %barrier3A_50 = arith.constant 0 : index
    tpu.barrier barrier_id(%barrier3A_50)
    %eq3A_51 = arith.constant 0 : i32
    %eq3A_52 = arith.cmpi eq, %arg1, %eq3A_51 : i32
    %convert_element_type3A_53 = arith.extui %eq3A_52 : i1 to i32
    %cond3A_54 = arith.constant 0 : i32
    %cond3A_55 = arith.cmpi ne, %convert_element_type3A_53, %cond3A_54 : i32
    scf.if %cond3A_55 {
      "tpu.region"() ({
        %run_scoped3A = tpu.sem_alloc : memref<!tpu.dma_semaphore, #tpu.memory_space<semaphore_mem>>
        %dma_start3A = arith.constant 0 : i32
        %dma_start3A_56 = arith.constant 0 : i32
        %dma_start3A_57 = tpu.memref_slice %arg5[%arg0, %dma_start3A, %dma_start3A_56] : memref<2x80x128xf32, #tpu.memory_space<hbm>> -> memref<1x80x128xf32, #tpu.memory_space<hbm>>
        %dma_start3A_58 = tpu.memref_squeeze %dma_start3A_57 : memref<1x80x128xf32, #tpu.memory_space<hbm>> -> memref<80x128xf32, #tpu.memory_space<hbm>>
        tpu.enqueue_dma source(%arg11 : memref<80x128xf32, #tpu.memory_space<vmem_shared>>) target(%dma_start3A_58 : memref<80x128xf32, #tpu.memory_space<hbm>>) target_semaphore(%run_scoped3A : memref<!tpu.dma_semaphore, #tpu.memory_space<semaphore_mem>>)
        %dma_wait3A = arith.constant 0 : i32
        %dma_wait3A_59 = arith.constant 0 : i32
        %dma_wait3A_60 = tpu.memref_slice %arg5[%arg0, %dma_wait3A, %dma_wait3A_59] : memref<2x80x128xf32, #tpu.memory_space<hbm>> -> memref<1x80x128xf32, #tpu.memory_space<hbm>>
        %dma_wait3A_61 = tpu.memref_squeeze %dma_wait3A_60 : memref<1x80x128xf32, #tpu.memory_space<hbm>> -> memref<80x128xf32, #tpu.memory_space<hbm>>
        tpu.wait_dma2 semaphore(%run_scoped3A : memref<!tpu.dma_semaphore, #tpu.memory_space<semaphore_mem>>) src(%arg11 : memref<80x128xf32, #tpu.memory_space<vmem_shared>>) dst(%dma_wait3A_61 : memref<80x128xf32, #tpu.memory_space<hbm>>)
        tpu.yield
      }) : () -> ()
    } else {
    }
    return
  }
}

module attributes {stable_mosaic.version = 14 : i64} {
  func.func @body(%arg0: memref<2x80x128xf32, #tpu.memory_space<vmem>>, %arg1: memref<80x128xf32, #tpu.memory_space<vmem>>, %arg2: memref<80x128xf32, #tpu.memory_space<vmem>>) attributes {dimension_semantics = [], scalar_prefetch = 0 : i64, scratch_operands = 0 : i64, tpu.core_type = #tpu.core_type<tc>} {
    %get3A = arith.constant 0 : index
    %get3A_0 = arith.constant 0 : index
    %get3A_1 = arith.constant 0 : index
    %get3A_2 = vector.load %arg0[%get3A, %get3A_0, %get3A_1] : memref<2x80x128xf32, #tpu.memory_space<vmem>>, vector<2x80x128xf32>
    %reduce_sum3A = arith.constant dense<0.000000e+00> : vector<80x128xf32>
    %reduce_sum3A_3 = vector.multi_reduction <add>, %get3A_2, %reduce_sum3A [0] : vector<2x80x128xf32> to vector<80x128xf32>
    %iota3A = tpu.iota {dimensions = array<i32: 0>} : vector<80x128xi32>
    %iota3A_4 = tpu.iota {dimensions = array<i32: 1>} : vector<80x128xi32>
    %mul3A = arith.constant 128 : i32
    %mul3A_5 = vector.broadcast %mul3A : i32 to vector<80x128xi32>
    %mul3A_6 = arith.muli %iota3A, %mul3A_5 : vector<80x128xi32>
    %add3A = arith.addi %mul3A_6, %iota3A_4 : vector<80x128xi32>
    %lt3A = arith.constant 10000 : i32
    %lt3A_7 = vector.broadcast %lt3A : i32 to vector<80x128xi32>
    %lt3A_8 = arith.cmpi slt, %add3A, %lt3A_7 : vector<80x128xi32>
    %swap3A = arith.constant 0 : index
    %swap3A_9 = arith.constant 0 : index
    %swap3A_10 = vector.load %arg1[%swap3A, %swap3A_9] : memref<80x128xf32, #tpu.memory_space<vmem>>, vector<80x128xf32>
    tpu.vector_store %arg1[%swap3A, %swap3A_9], %reduce_sum3A_3 {strides = array<i32>} : memref<80x128xf32, #tpu.memory_space<vmem>>, vector<80x128xf32>,
    %jit3A = arith.constant 0xFF800000 : f32
    %broadcast_in_dim3A = vector.broadcast %jit3A : f32 to vector<80x128xf32>
    %select_n3A = arith.select %lt3A_8, %reduce_sum3A_3, %broadcast_in_dim3A : vector<80x128xi1>, vector<80x128xf32>
    %reduce_max3A = vector.shape_cast %select_n3A : vector<80x128xf32> to vector<1x80x128xf32>
    %reduce_max3A_11 = arith.constant dense<0xFF800000> : vector<1xf32>
    %reduce_max3A_12 = vector.multi_reduction <maximumf>, %reduce_max3A, %reduce_max3A_11 [1, 2] : vector<1x80x128xf32> to vector<1xf32>
    %reduce_max3A_13 = vector.shape_cast %reduce_max3A_12 : vector<1xf32> to vector<1x1x1xf32>
    %reduce_max3A_14 = vector.extract %reduce_max3A_13[0, 0, 0] : f32 from vector<1x1x1xf32>
    %sub3A = vector.broadcast %reduce_max3A_14 : f32 to vector<80x128xf32>
    %sub3A_15 = arith.subf %reduce_sum3A_3, %sub3A : vector<80x128xf32>
    %exp3A = math.exp %sub3A_15 : vector<80x128xf32>
    %jit3A_16 = arith.constant 0.000000e+00 : f32
    %broadcast_in_dim3A_17 = vector.broadcast %jit3A_16 : f32 to vector<80x128xf32>
    %select_n3A_18 = arith.select %lt3A_8, %exp3A, %broadcast_in_dim3A_17 : vector<80x128xi1>, vector<80x128xf32>
    %reduce_sum3A_19 = vector.shape_cast %select_n3A_18 : vector<80x128xf32> to vector<1x80x128xf32>
    %reduce_sum3A_20 = arith.constant dense<0.000000e+00> : vector<1xf32>
    %reduce_sum3A_21 = vector.multi_reduction <add>, %reduce_sum3A_19, %reduce_sum3A_20 [1, 2] : vector<1x80x128xf32> to vector<1xf32>
    %reduce_sum3A_22 = vector.shape_cast %reduce_sum3A_21 : vector<1xf32> to vector<1x1x1xf32>
    %reduce_sum3A_23 = vector.extract %reduce_sum3A_22[0, 0, 0] : f32 from vector<1x1x1xf32>
    %div3A = vector.broadcast %reduce_sum3A_23 : f32 to vector<80x128xf32>
    %div3A_24 = arith.divf %select_n3A_18, %div3A : vector<80x128xf32>
    %swap3A_25 = arith.constant 0 : index
    %swap3A_26 = arith.constant 0 : index
    %swap3A_27 = vector.load %arg2[%swap3A_25, %swap3A_26] : memref<80x128xf32, #tpu.memory_space<vmem>>, vector<80x128xf32>
    tpu.vector_store %arg2[%swap3A_25, %swap3A_26], %div3A_24 {strides = array<i32>} : memref<80x128xf32, #tpu.memory_space<vmem>>, vector<80x128xf32>,
    return
  }
}

</mosaic_0001>

<sc_bundles>
// kernel: kernel.4.cloned.1.call-start
scs
__scs_entry_jumppad:
0x0: {  	(pc) =	sbr.rel $0x88, $3  }
0x1: {  	(tag) =	ssettag $0x0;
	lr =	simm.s32 $0x1  }
0x2: {  	[smem:$0x3F9E] =	sst lr;
	_ =	strace $0xD0000000  }
0x3: {  	_ = 	snop  }
0x4: {  	_ = 	snop  }
0x5: {  	_ = 	snop  }
0x6: {  	_ = 	snop  }
0x7: {  	_ = 	snop  }
__scs_overlays_trampoline_lowered:
0x8: {  	[smem:$0x3FAD] =	sst s0  }
0x9: {  	[smem:$0x3FAE] =	sst s1  }
0xa: {  	[smem:$0x3FAF] =	sst s2  }
0xb: {  	[smem:$0x3FB0] =	sst s3  }
0xc: {  	[smem:$0x3FB1] =	sst s4  }
0xd: {  	[smem:$0x3FB2] =	sst s5  }
0xe: {  	[smem:$0x3FB3] =	sst s6  }
0xf: {  	[smem:$0x3FB4] =	sst s7  }
0x10: {  	[smem:$0x3FB5] =	sst s8  }
0x11: {  	[smem:$0x3FB6] =	sst s9;
	s0 =	simm.s32 @!p0 $0x0  }
0x12: {  	s1 =	sld [smem:$0x3F9C];
	s0 =	simm.s32 @p0 $0x1  }
0x13: {  	[smem:$0x3FB7] =	sst s0;
	s0 =	simm.s32 @!p1 $0x0  }
0x14: {  	s2 =	sld [smem:$0x3F9B];
	s0 =	simm.s32 @p1 $0x1  }
0x15: {  	[smem:$0x3FB8] =	sst s0;
	s0 =	simm.s32 @!p2 $0x0  }
0x16: {  	s3 =	sld [smem:$0x3FDB];
	s0 =	simm.s32 @p2 $0x1  }
0x17: {  	s4 =	simm.s32 $0x1BF5;
	[smem:$0x3FBA] =	sst s0  }
0x18: {  	s0 =	sld [smem:$0x3F9D];
	_ =	swait.ge [sflag:s4], $0x0  }
0x19: {  	s7 =	sld [smem:$0x3F9E]  }
0x1a: {  	s8 =	sadd.s32 $0xFFFFE003, lr  }
0x1b: {  	s9 =	sadd.s32 $0xFFFFFEF7, lr;
	s5 =	simm.s32 $0xFFFFFFFF;
	p2 =	slt.u32 s8, $0xFFFFF086  }
0x1c: {  	p1 =	slt.u32 s9, $0xF7A;
	s5 =	simm.s32 @!p2 $0x0  }
0x1d: {  	s5 =	simm.s32 @p1 $0x1;
	p0 =	seq.s32 s7, s2  }
0x1e: {  	s7 =	smul.u32 @!p0 $0xF7A, s2;
	p2 =	seq.s32 @!p0 s5, $0x0  }
0x1f: {  	s9 =	smul.u32 $0xF7A, s1;
	s8 =	simm.s32 @!p0 $0x1BF5;
	p2 =	por !p2, p0  }
0x20: {  	[sflag:s8] =	ssyncset.s32 @!p0 $0xFFFFF086;
	s6 =	sadd.s32 @!p0 s3, s7;
	s7 =	simm.s32 @!p0 $0x108  }
0x21: {  	s3 =	sadd.s32 s3, s9;
	s6 =	sadd.s32 @!p0 $0x88, s6;
	s7 =	simm.s32 @p2 $0x1082  }
0x22: {  	[simem:s7], [sflag:s8] =	dma.local @!p0 [hbm:s6], $0xF7A  }
0x23: {  	s9 =	sor.u32 $0xD0000000, s2;
	s6 =	simm.s32 $0x108;
	_ =	swait.ge @!p0 [sflag:s8], $0x0  }
0x24: {  	s3 =	sadd.s32 $0x88, s3;
	s6 =	simm.s32 @!p1 $0x1082;
	[sflag:s4] =	ssyncset.s32 $0xFFFFF086  }
0x25: {  	[simem:s6], [sflag:s4] =	dma.local [hbm:s3], $0xF7A  }
0x26: {  	[smem:$0x3F9E] =	sst s1;
	(tag) =	ssettag s2;
	_ =	strace s9  }
0x27: {  	s1 =	sld [smem:$0x3FAE]  }
0x28: {  	s2 =	sld [smem:$0x3FAF]  }
0x29: {  	s4 =	sld [smem:$0x3FB1]  }
0x2a: {  	p0 =	seq.s32 s5, $0x0;
	s5 =	sld [smem:$0x3FB2]  }
0x2b: {  	s6 =	sld [smem:$0x3FB3]  }
0x2c: {  	s7 =	sld [smem:$0x3FB4]  }
0x2d: {  	s3 =	simm.s32 $0x108;
	s8 =	sld [smem:$0x3FB5]  }
0x2e: {  	s3 =	simm.s32 @!p0 $0x1082;
	s9 =	sld [smem:$0x3FB6]  }
0x2f: {  	lr =	sadd.s32 s0, s3;
	s0 =	sld [smem:$0x3FAD]  }
0x30: {  	s3 =	sld [smem:$0x3FB0]  }
0x31: {  	[smem:$0x3FB9] =	sst s10  }
0x32: {  	s10 =	sld [smem:$0x3FB7];
	_ =	sdelay $0x3  }
0x33: {  	p0 =	seq.s32 s10, $0x1;
	s10 =	sld [smem:$0x3FB9];
	_ =	sdelay $0x3  }
0x34: {  	[smem:$0x3FB9] =	sst s10  }
0x35: {  	s10 =	sld [smem:$0x3FB8];
	_ =	sdelay $0x3  }
0x36: {  	p1 =	seq.s32 s10, $0x1;
	s10 =	sld [smem:$0x3FB9];
	_ =	sdelay $0x3  }
0x37: {  	[smem:$0x3FB9] =	sst s10  }
0x38: {  	s10 =	sld [smem:$0x3FBA]  }
0x39: {  	_ = 	snop;
	(pc) =	sbr.ind lr, $3  }
0x3a: {  	_ = 	snop  }
0x3b: {  	_ = 	snop  }
0x3c: {  	p2 =	seq.s32 s10, $0x1;
	s10 =	sld [smem:$0x3FB9]  }
0x3d: {  	_ =	shalt  }
0x3e: {  	_ =	shalt  }
0x3f: {  	_ =	shalt  }
0x40: {  	_ =	shalt  }
0x41: {  	_ =	shalt  }
0x42: {  	_ =	shalt  }
0x43: {  	_ =	shalt  }
0x44: {  	_ =	shalt  }
0x45: {  	_ =	shalt  }
0x46: {  	_ =	shalt  }
0x47: {  	_ =	shalt  }
0x48: {  	_ =	shalt  }
0x49: {  	_ =	shalt  }
0x4a: {  	_ =	shalt  }
0x4b: {  	_ =	shalt  }
0x4c: {  	_ =	shalt  }
0x4d: {  	_ =	shalt  }
0x4e: {  	_ =	shalt  }
0x4f: {  	_ =	shalt  }
0x50: {  	_ =	shalt  }
0x51: {  	_ =	shalt  }
0x52: {  	_ =	shalt  }
0x53: {  	_ =	shalt  }
0x54: {  	_ =	shalt  }
0x55: {  	_ =	shalt  }
0x56: {  	_ =	shalt  }
0x57: {  	_ =	shalt  }
0x58: {  	_ =	shalt  }
0x59: {  	_ =	shalt  }
0x5a: {  	_ =	shalt  }
0x5b: {  	_ =	shalt  }
0x5c: {  	_ =	shalt  }
0x5d: {  	_ =	shalt  }
0x5e: {  	_ =	shalt  }
0x5f: {  	_ =	shalt  }
0x60: {  	_ =	shalt  }
0x61: {  	_ =	shalt  }
0x62: {  	_ =	shalt  }
0x63: {  	_ =	shalt  }
0x64: {  	_ =	shalt  }
0x65: {  	_ =	shalt  }
0x66: {  	_ =	shalt  }
0x67: {  	_ =	shalt  }
0x68: {  	_ =	shalt  }
0x69: {  	_ =	shalt  }
0x6a: {  	_ =	shalt  }
0x6b: {  	_ =	shalt  }
0x6c: {  	_ =	shalt  }
0x6d: {  	_ =	shalt  }
0x6e: {  	_ =	shalt  }
0x6f: {  	_ =	shalt  }
0x70: {  	_ =	shalt  }
0x71: {  	_ =	shalt  }
0x72: {  	_ =	shalt  }
0x73: {  	_ =	shalt  }
0x74: {  	_ =	shalt  }
0x75: {  	_ =	shalt  }
0x76: {  	_ =	shalt  }
0x77: {  	_ =	shalt  }
0x78: {  	_ =	shalt  }
0x79: {  	_ =	shalt  }
0x7a: {  	_ =	shalt  }
0x7b: {  	_ =	shalt  }
0x7c: {  	_ =	shalt  }
0x7d: {  	_ =	shalt  }
0x7e: {  	_ =	shalt  }
0x7f: {  	_ =	shalt  }
0x80: {  	_ =	shalt  }
0x81: {  	_ =	shalt  }
0x82: {  	_ =	shalt  }
0x83: {  	_ =	shalt  }
0x84: {  	_ =	shalt  }
0x85: {  	_ =	shalt  }
0x86: {  	_ =	shalt  }
0x87: {  	_ =	shalt  }
.Lfunc_end0:
.L_simem_size_0:
called_computation_lowered:
.L_overlay_start_0:
0x88: {  	s2 =	sld [smem:$0x3FD9]  }
0x89: {  	s3 =	sld [smem:$0x3FFE];
	_ =	sdelay $0x1  }
0x8a: {  	s1 =	srdreg.scid  }
0x8b: {  	s0 =	sand.u32 $0x1, s1  }
0x8c: {  	s17 =	sshll.u32 s0, $0xA;
	s2 =	sadd.s32 s3, s2  }
0x8d: {  	s2 =	sadd.s32 s2, s17  }
0x8e: {  	[smem:$0x3FC5] =	sst s2  }
0x8f: {  	_ = 	snop  }
0x90: {  	s2 =	sld [smem:$0x3FC9];
	(tm) =	ssettm $0x1  }
0x91: {  	s18 =	sld [smem:$0x3FFB];
	_ =	sdelay $0x3  }
0x92: {  	_ =	strace s18  }
0x93: {  	s3 =	sld [smem:$0x3FFC];
	_ =	sdelay $0x3  }
0x94: {  	_ =	strace s3  }
0x95: {  	s3 =	sld [smem:$0x3FFD];
	_ =	sdelay $0x3  }
0x96: {  	_ =	strace s3  }
0x97: {  	_ =	strace $0x8FFFFFFF  }
0x98: {  	s19 =	sld [smem:$0x3FDB];
	_ =	sdelay $0x1  }
0x99: {  	s4 =	simm.s32 $_scs_section_size  }
0x9a: {  	s5 =	simm.s32 $_size__tile_overlayer_lowered;
	s6 =	simm.s32 $_tile_overlayer_lowered  }
0x9b: {  	s22 =	simm.s32 $0x1BFF;
	s21 =	sshll.u32 s6, $0x1;
	s3 =	sadd.s32 s4, s19  }
0x9c: {  	s7 =	simm.s32 $0x0;
	s20 =	sshll.u32 s5, $0x1;
	s5 =	sadd.s32 s21, s3  }
0x9d: {  	[timem:s7], [sflag:s22] =	dma.local [hbm:s5], s20  }
0x9e: {  	_ =	swait.ge [sflag:s22], s20  }
0x9f: {  	s4 =	ssub.s32 $0x0, s20;
	[sflag:s22] =	ssyncset.done $0x0  }
0xa0: {  	[sflag:s22] =	ssyncadd.s32 s4;
	_ =	sdelay $0x1  }
0xa1: {  	s23 =	simm.s32 $0x1B8B  }
0xa2: {  	_ =	swait.ge [sflag:s23], $0x1  }
0xa3: {  	[sflag:s23] =	ssyncset.done $0x0  }
0xa4: {  	s25 =	simm.s32 $0x1B8E;
	s24 =	sld [smem:$0x3FFE];
	[sflag:s23] =	ssyncadd.s32 $0xFFFFFFFF  }
0xa5: {  	s26 =	simm.s32 $execute0_lowered;
	[smem:$0x3FD2] =	sst s25  }
0xa6: {  	s5 =	sshll.u32 s26, $0x1;
	_ =	strace $0x80000046;
	[dreg:$0x1] =	wrdreg $0xFFFFFFFF  }
0xa7: {  	s28 =	simm.s32 $_size_execute0_lowered;
	s3 =	sadd.s32 s3, s5;
	[dreg:$0x0] =	wrdreg $0x0  }
0xa8: {  	s5 =	sshll.u32 s28, $0x1;
	[dreg:$0x2] =	wrdreg s3  }
0xa9: {  	[dreg:$0x3] =	wrdreg s5  }
0xaa: {  	[dreg:$0x4] =	wrdreg $0xC0  }
0xab: {  	_ =	task [dreg:s7], $0x5FFFF  }
0xac: {  	[dreg:$0x1] =	wrdreg $0xFFFFFFFF  }
0xad: {  	[dreg:$0x0] =	wrdreg $0x60  }
0xae: {  	[dreg:$0x2] =	wrdreg s2  }
0xaf: {  	[dreg:$0x3] =	wrdreg s24  }
0xb0: {  	[dreg:$0x4] =	wrdreg $0x16C800  }
0xb1: {  	[dreg:$0x5] =	wrdreg $0x9  }
0xb2: {  	_ =	task.clear_ibuf [dreg:s7], $0x6FFFF;
	_ =	strace $0x90000046  }
0xb3: {  	s29 =	simm.s32 $0x9;
	_ =	strace $0x80000048  }
0xb4: {  	_ =	swait.ge [sflag:s29], $0x1  }
0xb5: {  	[sflag:s29] =	ssyncadd.s32 $0xFFFFFFFF  }
0xb6: {  	_ =	strace $0x90000048  }
0xb7: {  	_ =	sfence  }
0xb8: {  	s30 =	sld [smem:$0x0];
	_ =	sdelay $0x2  }
0xb9: {  	s31 =	sshll.u32 s1, $0xD;
	s1 =	sshrl.u32 s1, $0x2  }
0xba: {  	s3 =	sand.u32 $0x4000, s31;
	s1 =	sadd.s32 s1, s30  }
0xbb: {  	s0 =	sor.u32 s3, s0;
	s1 =	sshll.u32 s1, $0x11  }
0xbc: {  	s0 =	sor.u32 s1, s0  }
0xbd: {  	s0 =	sadd.s32 $0x8F2B, s0  }
0xbe: {  	[sflag:s0] =	ssyncadd.remote.s32 $0x1  }
0xbf: {  	_ =	sfence.sel $0xFFFF  }
0xc0: {  	[dreg:$0x0] =	wrdreg $0xFFFFFFFF;
	(pc) =	sbr.abs _section_cstart, $3  }
0xc1: {  	[dreg:$0x1] =	wrdreg $0xFFFFFFFF  }
0xc2: {  	_ =	task.clear_ibuf [dreg:s7], $0x2FFFF;
	_ =	strace $0x9FFFFFFF  }
0xc3: {  	(tm) =	ssettm $0x7FFFFFFF  }
tec
execute0_lowered:
.L_overlay_start_1:
0x0: {  	(tag) =	ssettag $0x1  }
0x1: {  	s1 =	rddreg [dreg:$0x0]  }
0x2: {  	s0 =	rddreg [dreg:$0x1]  }
0x3: {  	s2 =	rddreg [dreg:$0x2];
	s3 =	simm.s32 $0x0;
	s4 =	srdreg.scid  }
0x4: {  	s16 =	stileid.u32;
	s28 =	simm.s32 $0x14400;
	s29 =	simm.s32 $0x2  }
0x5: {  	[smem:$0x7FF] =	sst s3;
	s7 =	sand.u32 $0x1, s4;
	s4 =	sadd.s32 $0xA00, s0  }
0x6: {  	s5 =	sadd.s32 $0x27C00, s0;
	s11 =	sshll.u32 s16, $0x9;
	p0 =	sne.s32 s16, $0x0  }
0x7: {  	s8 =	smul.u32 $0x500, s7;
	s6 =	sshll.u32 s7, $0x4;
	s7 =	ssub.s32 $0x2, s7  }
0x8: {  	_ =	strace $0x80000047;
	s6 =	sor.u32 s16, s6;
	s9 =	sshrl.u32 s7, $0x1  }
0x9: {  	s0 =	sadd.s32 s8, s0;
	s17 =	sshrl.u32 s6, $0x1;
	s15 =	ssub.s32 s7, s9  }
0xa: {  	s7 =	sand.u32 $0x200, s11;
	s13 =	sor.u32 $0x60, s6;
	s10 =	smul.u32 $0x13C00, s17  }
0xb: {  	s18 =	sshll.u32 s17, $0xA;
	s19 =	sor.u32 $0x10, s17;
	s17 =	sshrl.u32 s13, $0x1  }
0xc: {  	s15 =	smax.u32 s15, $0x1;
	s9 =	sor.u32 s7, s18;
	s12 =	smul.u32 $0x13C00, s19  }
0xd: {  	s11 =	sshll.u32 s19, $0xA;
	s18 =	smul.u32 $0x13C00, s17;
	s17 =	sshll.u32 s17, $0xA  }
0xe: {  	s19 =	simm.s32 $0x200;
	s10 =	sor.u32 s7, s10;
	s21 =	sshrl.u32 s9, $0x3  }
0xf: {  	s14 =	sor.u32 s7, s11;
	s17 =	sor.u32 s7, s17;
	s20 =	sshrl.u32 s10, $0x3  }
0x10: {  	s22 =	sadd.s32 s4, s21;
	s23 =	sadd.s32 s5, s21;
	s12 =	sor.u32 s7, s12  }
0x11: {  	s25 =	sshrl.u32 s14, $0x3;
	s14 =	sadd.s32 $0x4EE00, s0;
	s31 =	sor.u32 s7, s18  }
0x12: {  	s17 =	sshrl.u32 s17, $0x3;
	s21 =	simm.s32 $0x0;
	[dreg:$0x5] =	wrdreg s22  }
0x13: {  	s8 =	sadd.s32 s1, s20;
	[dreg:$0x6] =	wrdreg s23;
	s12 =	sshrl.u32 s12, $0x3  }
.Ltmp0:
0x14: {  	s26 =	sadd.s32 s4, s25;
	s13 =	sadd.s32 s5, s25;
	(pc) =	sbr.rel .LBB2_1-.Ltmp0, $4  }
0x15: {  	s0 =	sshrl.u32 s31, $0x3;
	s25 =	sadd.s32 s17, s5;
	s20 =	simm.s32 $0x400  }
0x16: {  	v0 =	vlaneseq.u32;
	s23 =	simm.s32 $0x9E00;
	[dreg:$0x4] =	wrdreg s8;
	s24 =	sadd.s32 s1, s12  }
0x17: {  	v1 =	vimm.f32 $0.0e+00;
	v2 =	vor.u32 $0x10, v0;
	[dreg:$0x8] =	wrdreg s26;
	s30 =	sadd.s32 s0, s1;
	s26 =	simm.s32 $0x1  }
0x18: {  	v3 =	vor.u32 $0x20, v0;
	v4 =	vor.u32 $0x30, v0;
	v5 =	vor.u32 $0x40, v0;
	s0 =	simm.s32 $0x3;
	[dreg:$0x7] =	wrdreg s24;
	s24 =	sadd.s32 s17, s4  }
.LBB2_9:
0x19: {  	[bflag:$0x0] =	sbarrier.arrive $0xFFFF;
	s8 =	simm.s32 $0x50;
	s9 =	simm.s32 $0x16C00  }
0x1a: {  	[spmem:s2] =	stream.indirect.scatter.add.f32 [tilespmem:s28], [sflag:$0x3], $0x80, s9, s8, $0xb8;
	[tilespmem:$0x16F00] =	vst v63  }
0x1b: {  	_ =	swait.ge [sflag:s0], $0x2800  }
0x1c: {  	[sflag:s0] =	ssyncset.done $0x0  }
0x1d: {  	s21 =	sadd.s32 $0x1, s21;
	s8 =	sshrl.u32 @!p0 s2, $0x3;
	[sflag:s0] =	ssyncadd.s32 $0xFFFFD800  }
0x1e: {  	s9 =	simm.s32 @!p0 $0x1C03;
	p1 =	sne.s32 s21, s15;
	[bflag:$0x0] =	sbarrier.arrive $0xFFFF  }
0x1f: {  	[hbm:s14], [sflag:s9] =	dma.local @!p0 [spmem:s8], $0x500  }
.Ltmp1:
0x20: {  	_ = 	snop;
	(pc) =	sbr.rel @!p1 .LBB2_10-.Ltmp1, $4  }
0x21: {  	s8 =	simm.s32 @!p0 $0x3  }
0x22: {  	_ =	swait.ge @!p0 [sflag:s8], $0x500  }
0x23: {  	[sflag:s8] =	ssyncset.done @!p0 $0x0  }
0x24: {  	[sflag:s8] =	ssyncadd.s32 @!p0 $0xFFFFFB00  }
.LBB2_1:
0x25: {  	s8 =	rddreg [dreg:$0x4]  }
0x26: {  	[tilespmem:s3], [sflag:$0x1] =	stream.strided.gather [hbm4b:s8+s19], $0x9E00, s20, s19, $0x38;
	[tilespmem:$0x16F00] =	vst v63  }
0x27: {  	s11 =	rddreg [dreg:$0x5];
	s9 =	simm.s32 $0x13C00  }
0x28: {  	[tilespmem:s9], [sflag:$0x1] =	stream.linear.gather [hbm4b:s11+s3], $0x200, $0x38;
	[tilespmem:$0x16F00] =	vst v63  }
0x29: {  	s12 =	rddreg [dreg:$0x6];
	s16 =	simm.s32 $0x14000  }
0x2a: {  	[tilespmem:s16], [sflag:$0x1] =	stream.linear.gather [hbm4b:s12+s3], $0x200, $0x38;
	[tilespmem:$0x16F00] =	vst v63  }
0x2b: {  	s17 =	rddreg [dreg:$0x7]  }
0x2c: {  	[tilespmem:s23], [sflag:$0x2] =	stream.strided.gather [hbm4b:s17+s19], $0x9E00, s20, s19, $0x38;
	[tilespmem:$0x16F00] =	vst v63  }
0x2d: {  	s18 =	rddreg [dreg:$0x8];
	s22 =	simm.s32 $0x13E00  }
0x2e: {  	[tilespmem:s22], [sflag:$0x2] =	stream.linear.gather [hbm4b:s18+s3], $0x200, $0x38;
	[tilespmem:$0x16F00] =	vst v63  }
0x2f: {  	s31 =	simm.s32 $0x14200;
	s16 =	simm.s32 $0x70;
	s17 =	simm.s32 $0x3C0  }
0x30: {  	[tilespmem:s31], [sflag:$0x2] =	stream.linear.gather [hbm4b:s13+s3], $0x200, $0x38;
	[tilespmem:$0x16F00] =	vst v63  }
.LBB2_2:
0x31: {  	p1 =	sne.s32 s17, $0x9FC0;
	[tilespmem:s16+$0x14400] =	vst v1  }
0x32: {  	[tilespmem:s16+$0x14390] =	vst v1  }
0x33: {  	[tilespmem:s16+$0x143A0] =	vst v1  }
.Ltmp2:
0x34: {  	[tilespmem:s16+$0x143B0] =	vst v1;
	(pc) =	sbr.rel @p1 .LBB2_2-.Ltmp2, $4  }
0x35: {  	[tilespmem:s16+$0x143C0] =	vst v1  }
0x36: {  	[tilespmem:s16+$0x143D0] =	vst v1  }
0x37: {  	[tilespmem:s16+$0x143E0] =	vst v1  }
0x38: {  	[tilespmem:s16+$0x143F0] =	vst v1;
	s16 =	sshra.s32 s17, $0x2;
	s17 =	sadd.s32 $0x200, s17  }
0x39: {  	[tilespmem:s16+$0x14400] =	vst v1  }
0x3a: {  	[tilespmem:s16+$0x14390] =	vst v1  }
0x3b: {  	[tilespmem:s16+$0x143A0] =	vst v1  }
0x3c: {  	[tilespmem:s16+$0x143B0] =	vst v1  }
0x3d: {  	[tilespmem:s16+$0x143C0] =	vst v1  }
0x3e: {  	[tilespmem:s16+$0x143D0] =	vst v1  }
0x3f: {  	[tilespmem:s16+$0x143E0] =	vst v1  }
0x40: {  	[tilespmem:s16+$0x143F0] =	vst v1  }
0x41: {  	[tilespmem:$0x16C00] =	vst v0  }
0x42: {  	[tilespmem:$0x16C10] =	vst v2  }
0x43: {  	[tilespmem:$0x16C20] =	vst v3  }
0x44: {  	[tilespmem:$0x16C30] =	vst v4  }
0x45: {  	s16 =	simm.s32 @!p0 $0x14400;
	[tilespmem:$0x16C40] =	vst v5  }
0x46: {  	[spmem:s2] =	stream.linear.scatter @!p0 [tilespmem:s16], [sflag:$0x3], $0x2800, $0x38;
	[tilespmem:$0x16F00] =	vst v63  }
.Ltmp3:
0x47: {  	_ = 	snop;
	(pc) =	sbr.rel .LBB2_4-.Ltmp3, $4  }
0x48: {  	s16 =	simm.s32 @!p0 $0x3  }
0x49: {  	_ =	swait.ge @!p0 [sflag:s16], $0x2800  }
0x4a: {  	s22 =	simm.s32 $0x0;
	s18 =	smov.u32 s24;
	[sflag:s16] =	ssyncset.done @!p0 $0x0  }
0x4b: {  	s17 =	smov.u32 s25;
	[sflag:s16] =	ssyncadd.s32 @!p0 $0xFFFFD800;
	s16 =	smov.u32 s30  }
.LBB2_8:
0x4c: {  	s22 =	sadd.s32 $0x40, s22  }
0x4d: {  	p1 =	sne.s32 s22, $0xA00  }
.Ltmp4:
0x4e: {  	_ = 	snop;
	(pc) =	sbr.rel @!p1 .LBB2_9-.Ltmp4, $2  }
0x4f: {  	_ =	sdelay $0x2  }
0x50: {  	s16 =	sadd.s32 $0x4F000, s16;
	s17 =	sadd.s32 $0x1000, s17;
	s18 =	sadd.s32 $0x1000, s18  }
.LBB2_4:
0x51: {  	s31 =	sadd.s32 s22, s6  }
0x52: {  	p1 =	sgt.u32 s31, $0x9C3  }
.Ltmp5:
0x53: {  	_ = 	snop;
	(pc) =	sbr.rel @p1 .LBB2_6-.Ltmp5, $1  }
0x54: {  	_ =	sdelay $0x3  }
0x55: {  	_ =	swait.ge [sflag:s26], $0x9E00  }
0x56: {  	[sflag:s26] =	ssyncset.done $0x0  }
0x57: {  	[sflag:s26] =	ssyncadd.s32 $0xFFFF6200  }
0x58: {  	_ =	swait.ge [sflag:s26], $0x200  }
0x59: {  	[sflag:s26] =	ssyncset.done $0x0  }
0x5a: {  	[sflag:s26] =	ssyncadd.s32 $0xFFFFFE00  }
0x5b: {  	_ =	swait.ge [sflag:s26], $0x200  }
0x5c: {  	[sflag:s26] =	ssyncset.done $0x0  }
0x5d: {  	[sflag:s26] =	ssyncadd.s32 $0xFFFFFE00  }
0x5e: {  	v6 =	vld [tilespmem:$0x13C00];
	_ =	sdelay $0x4  }
0x5f: {  	v7 =	vshll.u32 v6, $0x2  }
0x60: {  	v8 =	vand.u32 $0x7F, v6;
	v7 =	vand.u32 $0xFFFFFE00, v7  }
0x61: {  	v7 =	vor.u32 v8, v7;
	_ =	sdelay $0x3  }
0x62: {  	v33 =	vld [tilespmem:$0x14000]  }
0x63: {  	v7 =	vld.idx.msk [tilespmem:v7+s3+$0x0], $0xffff;
	_ =	sdelay $0x4  }
0x64: {  	v7 =	vmul.f32 v7, v33;
	_ =	sdelay $0x1  }
0x65: {  	[tilespmem:v6+s28+$0x0] =	vst.idx.add.f32.msk $0xffff, v7  }
0x66: {  	v6 =	vld [tilespmem:$0x13C10];
	_ =	sdelay $0x4  }
0x67: {  	v7 =	vshll.u32 v6, $0x2  }
0x68: {  	v34 =	vand.u32 $0x7F, v6;
	v7 =	vand.u32 $0xFFFFFE00, v7  }
0x69: {  	v7 =	vor.u32 v34, v7;
	_ =	sdelay $0x3  }
0x6a: {  	v35 =	vld [tilespmem:$0x14010]  }
0x6b: {  	v7 =	vld.idx.msk [tilespmem:v7+s3+$0x0], $0xffff;
	_ =	sdelay $0x4  }
0x6c: {  	v7 =	vmul.f32 v7, v35;
	_ =	sdelay $0x1  }
0x6d: {  	[tilespmem:v6+s28+$0x0] =	vst.idx.add.f32.msk $0xffff, v7  }
0x6e: {  	v6 =	vld [tilespmem:$0x13C20];
	_ =	sdelay $0x4  }
0x6f: {  	v7 =	vshll.u32 v6, $0x2  }
0x70: {  	v36 =	vand.u32 $0x7F, v6;
	v7 =	vand.u32 $0xFFFFFE00, v7  }
0x71: {  	v7 =	vor.u32 v36, v7;
	_ =	sdelay $0x3  }
0x72: {  	v37 =	vld [tilespmem:$0x14020]  }
0x73: {  	v7 =	vld.idx.msk [tilespmem:v7+s3+$0x0], $0xffff;
	_ =	sdelay $0x4  }
0x74: {  	v7 =	vmul.f32 v7, v37;
	_ =	sdelay $0x1  }
0x75: {  	[tilespmem:v6+s28+$0x0] =	vst.idx.add.f32.msk $0xffff, v7  }
0x76: {  	v6 =	vld [tilespmem:$0x13C30];
	_ =	sdelay $0x4  }
0x77: {  	v7 =	vshll.u32 v6, $0x2  }
0x78: {  	v38 =	vand.u32 $0x7F, v6;
	v7 =	vand.u32 $0xFFFFFE00, v7  }
0x79: {  	v7 =	vor.u32 v38, v7;
	_ =	sdelay $0x3  }
0x7a: {  	v39 =	vld [tilespmem:$0x14030]  }
0x7b: {  	v7 =	vld.idx.msk [tilespmem:v7+s3+$0x0], $0xffff;
	_ =	sdelay $0x4  }
0x7c: {  	v7 =	vmul.f32 v7, v39;
	_ =	sdelay $0x1  }
0x7d: {  	[tilespmem:v6+s28+$0x0] =	vst.idx.add.f32.msk $0xffff, v7  }
0x7e: {  	v6 =	vld [tilespmem:$0x13C80];
	_ =	sdelay $0x4  }
0x7f: {  	v7 =	vshll.u32 v6, $0x2  }
0x80: {  	v40 =	vand.u32 $0x7F, v6;
	v7 =	vand.u32 $0xFFFFFE00, v7  }
0x81: {  	v7 =	vor.u32 v7, v40  }
0x82: {  	v7 =	vor.u32 $0x80, v7;
	_ =	sdelay $0x3  }
0x83: {  	v41 =	vld [tilespmem:$0x14080]  }
0x84: {  	v7 =	vld.idx.msk [tilespmem:v7+s3+$0x0], $0xffff;
	_ =	sdelay $0x4  }
0x85: {  	v7 =	vmul.f32 v7, v41;
	_ =	sdelay $0x1  }
0x86: {  	[tilespmem:v6+s28+$0x0] =	vst.idx.add.f32.msk $0xffff, v7  }
0x87: {  	v6 =	vld [tilespmem:$0x13C90];
	_ =	sdelay $0x4  }
0x88: {  	v7 =	vshll.u32 v6, $0x2  }
0x89: {  	v42 =	vand.u32 $0x7F, v6;
	v7 =	vand.u32 $0xFFFFFE00, v7  }
0x8a: {  	v7 =	vor.u32 v7, v42  }
0x8b: {  	v7 =	vor.u32 $0x80, v7;
	_ =	sdelay $0x3  }
0x8c: {  	v43 =	vld [tilespmem:$0x14090]  }
0x8d: {  	v7 =	vld.idx.msk [tilespmem:v7+s3+$0x0], $0xffff;
	_ =	sdelay $0x4  }
0x8e: {  	v7 =	vmul.f32 v7, v43;
	_ =	sdelay $0x1  }
0x8f: {  	[tilespmem:v6+s28+$0x0] =	vst.idx.add.f32.msk $0xffff, v7  }
0x90: {  	v6 =	vld [tilespmem:$0x13CA0];
	_ =	sdelay $0x4  }
0x91: {  	v7 =	vshll.u32 v6, $0x2  }
0x92: {  	v44 =	vand.u32 $0x7F, v6;
	v7 =	vand.u32 $0xFFFFFE00, v7  }
0x93: {  	v7 =	vor.u32 v7, v44  }
0x94: {  	v7 =	vor.u32 $0x80, v7;
	_ =	sdelay $0x3  }
0x95: {  	v45 =	vld [tilespmem:$0x140A0]  }
0x96: {  	v7 =	vld.idx.msk [tilespmem:v7+s3+$0x0], $0xffff;
	_ =	sdelay $0x4  }
0x97: {  	v7 =	vmul.f32 v7, v45;
	_ =	sdelay $0x1  }
0x98: {  	[tilespmem:v6+s28+$0x0] =	vst.idx.add.f32.msk $0xffff, v7  }
0x99: {  	v6 =	vld [tilespmem:$0x13CB0];
	_ =	sdelay $0x4  }
0x9a: {  	v7 =	vshll.u32 v6, $0x2  }
0x9b: {  	v46 =	vand.u32 $0x7F, v6;
	v7 =	vand.u32 $0xFFFFFE00, v7  }
0x9c: {  	v7 =	vor.u32 v7, v46  }
0x9d: {  	v7 =	vor.u32 $0x80, v7;
	_ =	sdelay $0x3  }
0x9e: {  	v47 =	vld [tilespmem:$0x140B0]  }
0x9f: {  	v7 =	vld.idx.msk [tilespmem:v7+s3+$0x0], $0xffff;
	_ =	sdelay $0x4  }
0xa0: {  	v7 =	vmul.f32 v7, v47;
	_ =	sdelay $0x1  }
0xa1: {  	[tilespmem:v6+s28+$0x0] =	vst.idx.add.f32.msk $0xffff, v7  }
0xa2: {  	v6 =	vld [tilespmem:$0x13D00];
	_ =	sdelay $0x4  }
0xa3: {  	v7 =	vshll.u32 v6, $0x2  }
0xa4: {  	v48 =	vand.u32 $0x7F, v6;
	v7 =	vand.u32 $0xFFFFFE00, v7  }
0xa5: {  	v7 =	vor.u32 v7, v48  }
0xa6: {  	v7 =	vor.u32 $0x100, v7;
	_ =	sdelay $0x3  }
0xa7: {  	v49 =	vld [tilespmem:$0x14100]  }
0xa8: {  	v7 =	vld.idx.msk [tilespmem:v7+s3+$0x0], $0xffff;
	_ =	sdelay $0x4  }
0xa9: {  	v7 =	vmul.f32 v7, v49;
	_ =	sdelay $0x1  }
0xaa: {  	[tilespmem:v6+s28+$0x0] =	vst.idx.add.f32.msk $0xffff, v7  }
0xab: {  	v6 =	vld [tilespmem:$0x13D10];
	_ =	sdelay $0x4  }
0xac: {  	v7 =	vshll.u32 v6, $0x2  }
0xad: {  	v50 =	vand.u32 $0x7F, v6;
	v7 =	vand.u32 $0xFFFFFE00, v7  }
0xae: {  	v7 =	vor.u32 v7, v50  }
0xaf: {  	v7 =	vor.u32 $0x100, v7;
	_ =	sdelay $0x3  }
0xb0: {  	v51 =	vld [tilespmem:$0x14110]  }
0xb1: {  	v7 =	vld.idx.msk [tilespmem:v7+s3+$0x0], $0xffff;
	_ =	sdelay $0x4  }
0xb2: {  	v7 =	vmul.f32 v7, v51;
	_ =	sdelay $0x1  }
0xb3: {  	[tilespmem:v6+s28+$0x0] =	vst.idx.add.f32.msk $0xffff, v7  }
0xb4: {  	v6 =	vld [tilespmem:$0x13D20];
	_ =	sdelay $0x4  }
0xb5: {  	v7 =	vshll.u32 v6, $0x2  }
0xb6: {  	v52 =	vand.u32 $0x7F, v6;
	v7 =	vand.u32 $0xFFFFFE00, v7  }
0xb7: {  	v7 =	vor.u32 v7, v52  }
0xb8: {  	v7 =	vor.u32 $0x100, v7;
	_ =	sdelay $0x3  }
0xb9: {  	v53 =	vld [tilespmem:$0x14120]  }
0xba: {  	v7 =	vld.idx.msk [tilespmem:v7+s3+$0x0], $0xffff;
	_ =	sdelay $0x4  }
0xbb: {  	v7 =	vmul.f32 v7, v53;
	_ =	sdelay $0x1  }
0xbc: {  	[tilespmem:v6+s28+$0x0] =	vst.idx.add.f32.msk $0xffff, v7  }
0xbd: {  	v6 =	vld [tilespmem:$0x13D30];
	_ =	sdelay $0x4  }
0xbe: {  	v7 =	vshll.u32 v6, $0x2  }
0xbf: {  	v54 =	vand.u32 $0x7F, v6;
	v7 =	vand.u32 $0xFFFFFE00, v7  }
0xc0: {  	v7 =	vor.u32 v7, v54  }
0xc1: {  	v7 =	vor.u32 $0x100, v7;
	_ =	sdelay $0x3  }
0xc2: {  	v55 =	vld [tilespmem:$0x14130]  }
0xc3: {  	v7 =	vld.idx.msk [tilespmem:v7+s3+$0x0], $0xffff;
	_ =	sdelay $0x4  }
0xc4: {  	v7 =	vmul.f32 v7, v55;
	_ =	sdelay $0x1  }
0xc5: {  	[tilespmem:v6+s28+$0x0] =	vst.idx.add.f32.msk $0xffff, v7  }
0xc6: {  	v6 =	vld [tilespmem:$0x13D80];
	_ =	sdelay $0x4  }
0xc7: {  	v7 =	vshll.u32 v6, $0x2  }
0xc8: {  	v56 =	vand.u32 $0x7F, v6;
	v7 =	vand.u32 $0xFFFFFE00, v7  }
0xc9: {  	v7 =	vor.u32 v7, v56  }
0xca: {  	v7 =	vor.u32 $0x180, v7;
	_ =	sdelay $0x3  }
0xcb: {  	v57 =	vld [tilespmem:$0x14180]  }
0xcc: {  	v7 =	vld.idx.msk [tilespmem:v7+s3+$0x0], $0xffff;
	_ =	sdelay $0x4  }
0xcd: {  	v7 =	vmul.f32 v7, v57;
	_ =	sdelay $0x1  }
0xce: {  	[tilespmem:v6+s28+$0x0] =	vst.idx.add.f32.msk $0xffff, v7  }
0xcf: {  	v6 =	vld [tilespmem:$0x13D90];
	_ =	sdelay $0x4  }
0xd0: {  	v7 =	vshll.u32 v6, $0x2  }
0xd1: {  	v58 =	vand.u32 $0x7F, v6;
	v7 =	vand.u32 $0xFFFFFE00, v7  }
0xd2: {  	v7 =	vor.u32 v7, v58  }
0xd3: {  	v7 =	vor.u32 $0x180, v7;
	_ =	sdelay $0x3  }
0xd4: {  	v59 =	vld [tilespmem:$0x14190]  }
0xd5: {  	v7 =	vld.idx.msk [tilespmem:v7+s3+$0x0], $0xffff;
	_ =	sdelay $0x4  }
0xd6: {  	v7 =	vmul.f32 v7, v59;
	_ =	sdelay $0x1  }
0xd7: {  	[tilespmem:v6+s28+$0x0] =	vst.idx.add.f32.msk $0xffff, v7  }
0xd8: {  	v6 =	vld [tilespmem:$0x13DA0];
	_ =	sdelay $0x4  }
0xd9: {  	v7 =	vshll.u32 v6, $0x2  }
0xda: {  	v60 =	vand.u32 $0x7F, v6;
	v7 =	vand.u32 $0xFFFFFE00, v7  }
0xdb: {  	v7 =	vor.u32 v7, v60  }
0xdc: {  	v7 =	vor.u32 $0x180, v7;
	_ =	sdelay $0x3  }
0xdd: {  	v61 =	vld [tilespmem:$0x141A0]  }
0xde: {  	v7 =	vld.idx.msk [tilespmem:v7+s3+$0x0], $0xffff;
	_ =	sdelay $0x4  }
0xdf: {  	v7 =	vmul.f32 v7, v61;
	_ =	sdelay $0x1  }
0xe0: {  	[tilespmem:v6+s28+$0x0] =	vst.idx.add.f32.msk $0xffff, v7  }
0xe1: {  	v6 =	vld [tilespmem:$0x13DB0];
	_ =	sdelay $0x4  }
0xe2: {  	v7 =	vshll.u32 v6, $0x2  }
0xe3: {  	v62 =	vand.u32 $0x7F, v6;
	v7 =	vand.u32 $0xFFFFFE00, v7  }
0xe4: {  	v7 =	vor.u32 v7, v62  }
0xe5: {  	v7 =	vor.u32 $0x180, v7;
	_ =	sdelay $0x3  }
0xe6: {  	p1 =	sgt.u32 s31, $0x983;
	v63 =	vld [tilespmem:$0x141B0]  }
0xe7: {  	s8 =	sadd.s32 @!p1 s22, s6;
	v7 =	vld.idx.msk [tilespmem:v7+s3+$0x0], $0xffff  }
0xe8: {  	s8 =	sadd.s32 @!p1 $0x40, s8  }
0xe9: {  	s8 =	sshrl.u32 @!p1 s8, $0x1  }
0xea: {  	s9 =	smul.u32 @!p1 $0x13C00, s8;
	_ =	sdelay $0x1  }
0xeb: {  	s10 =	simm.s32 @!p1 $0x200;
	s8 =	sshll.u32 @!p1 s8, $0xA;
	s9 =	sor.u32 @!p1 s7, s9;
	v7 =	vmul.f32 v7, v63  }
0xec: {  	s11 =	simm.s32 @!p1 $0x400;
	s8 =	sor.u32 @!p1 s7, s8;
	s9 =	sshrl.u32 @!p1 s9, $0x3  }
0xed: {  	s12 =	simm.s32 @!p1 $0x0;
	s8 =	sshrl.u32 @!p1 s8, $0x3;
	s9 =	sadd.s32 @!p1 s1, s9;
	[tilespmem:v6+s28+$0x0] =	vst.idx.add.f32.msk $0xffff, v7  }
0xee: {  	[tilespmem:s12], [sflag:$0x1] =	stream.strided.gather @!p1 [hbm4b:s9+s10], $0x9E00, s11, s10, $0x38;
	[tilespmem:$0x16F00] =	vst v63  }
0xef: {  	s9 =	sadd.s32 @!p1 s4, s8;
	s10 =	simm.s32 @!p1 $0x13C00  }
0xf0: {  	[tilespmem:s10], [sflag:$0x1] =	stream.linear.gather @!p1 [hbm4b:s9+s12], $0x200, $0x38;
	[tilespmem:$0x16F00] =	vst v63  }
0xf1: {  	s8 =	sadd.s32 @!p1 s5, s8;
	s9 =	simm.s32 @!p1 $0x14000  }
0xf2: {  	[tilespmem:s9], [sflag:$0x1] =	stream.linear.gather @!p1 [hbm4b:s8+s12], $0x200, $0x38;
	[tilespmem:$0x16F00] =	vst v63  }
.LBB2_6:
0xf3: {  	s31 =	sadd.s32 $0x20, s31  }
0xf4: {  	p1 =	sgt.u32 s31, $0x9C3  }
.Ltmp6:
0xf5: {  	_ = 	snop;
	(pc) =	sbr.rel @p1 .LBB2_8-.Ltmp6, $1  }
0xf6: {  	_ =	sdelay $0x3  }
0xf7: {  	_ =	swait.ge [sflag:s29], $0x9E00  }
0xf8: {  	[sflag:s29] =	ssyncset.done $0x0  }
0xf9: {  	[sflag:s29] =	ssyncadd.s32 $0xFFFF6200  }
0xfa: {  	_ =	swait.ge [sflag:s29], $0x200  }
0xfb: {  	[sflag:s29] =	ssyncset.done $0x0  }
0xfc: {  	[sflag:s29] =	ssyncadd.s32 $0xFFFFFE00  }
0xfd: {  	_ =	swait.ge [sflag:s29], $0x200  }
0xfe: {  	[sflag:s29] =	ssyncset.done $0x0  }
0xff: {  	[sflag:s29] =	ssyncadd.s32 $0xFFFFFE00  }
0x100: {  	v6 =	vld [tilespmem:$0x13E00];
	_ =	sdelay $0x4  }
0x101: {  	v7 =	vshll.u32 v6, $0x2  }
0x102: {  	v8 =	vand.u32 $0x7F, v6;
	v7 =	vand.u32 $0xFFFFFE00, v7  }
0x103: {  	v7 =	vor.u32 v8, v7;
	_ =	sdelay $0x3  }
0x104: {  	v33 =	vld [tilespmem:$0x14200]  }
0x105: {  	v7 =	vld.idx.msk [tilespmem:v7+s23+$0x0], $0xffff;
	_ =	sdelay $0x4  }
0x106: {  	v7 =	vmul.f32 v7, v33;
	_ =	sdelay $0x1  }
0x107: {  	[tilespmem:v6+s28+$0x0] =	vst.idx.add.f32.msk $0xffff, v7  }
0x108: {  	v6 =	vld [tilespmem:$0x13E10];
	_ =	sdelay $0x4  }
0x109: {  	v7 =	vshll.u32 v6, $0x2  }
0x10a: {  	v34 =	vand.u32 $0x7F, v6;
	v7 =	vand.u32 $0xFFFFFE00, v7  }
0x10b: {  	v7 =	vor.u32 v34, v7;
	_ =	sdelay $0x3  }
0x10c: {  	v35 =	vld [tilespmem:$0x14210]  }
0x10d: {  	v7 =	vld.idx.msk [tilespmem:v7+s23+$0x0], $0xffff;
	_ =	sdelay $0x4  }
0x10e: {  	v7 =	vmul.f32 v7, v35;
	_ =	sdelay $0x1  }
0x10f: {  	[tilespmem:v6+s28+$0x0] =	vst.idx.add.f32.msk $0xffff, v7  }
0x110: {  	v6 =	vld [tilespmem:$0x13E20];
	_ =	sdelay $0x4  }
0x111: {  	v7 =	vshll.u32 v6, $0x2  }
0x112: {  	v36 =	vand.u32 $0x7F, v6;
	v7 =	vand.u32 $0xFFFFFE00, v7  }
0x113: {  	v7 =	vor.u32 v36, v7;
	_ =	sdelay $0x3  }
0x114: {  	v37 =	vld [tilespmem:$0x14220]  }
0x115: {  	v7 =	vld.idx.msk [tilespmem:v7+s23+$0x0], $0xffff;
	_ =	sdelay $0x4  }
0x116: {  	v7 =	vmul.f32 v7, v37;
	_ =	sdelay $0x1  }
0x117: {  	[tilespmem:v6+s28+$0x0] =	vst.idx.add.f32.msk $0xffff, v7  }
0x118: {  	v6 =	vld [tilespmem:$0x13E30];
	_ =	sdelay $0x4  }
0x119: {  	v7 =	vshll.u32 v6, $0x2  }
0x11a: {  	v38 =	vand.u32 $0x7F, v6;
	v7 =	vand.u32 $0xFFFFFE00, v7  }
0x11b: {  	v7 =	vor.u32 v38, v7;
	_ =	sdelay $0x3  }
0x11c: {  	v39 =	vld [tilespmem:$0x14230]  }
0x11d: {  	v7 =	vld.idx.msk [tilespmem:v7+s23+$0x0], $0xffff;
	_ =	sdelay $0x4  }
0x11e: {  	v7 =	vmul.f32 v7, v39;
	_ =	sdelay $0x1  }
0x11f: {  	[tilespmem:v6+s28+$0x0] =	vst.idx.add.f32.msk $0xffff, v7  }
0x120: {  	v6 =	vld [tilespmem:$0x13E80];
	_ =	sdelay $0x4  }
0x121: {  	v7 =	vshll.u32 v6, $0x2  }
0x122: {  	v40 =	vand.u32 $0x7F, v6;
	v7 =	vand.u32 $0xFFFFFE00, v7  }
0x123: {  	v7 =	vor.u32 v7, v40  }
0x124: {  	v7 =	vor.u32 $0x80, v7;
	_ =	sdelay $0x3  }
0x125: {  	v41 =	vld [tilespmem:$0x14280]  }
0x126: {  	v7 =	vld.idx.msk [tilespmem:v7+s23+$0x0], $0xffff;
	_ =	sdelay $0x4  }
0x127: {  	v7 =	vmul.f32 v7, v41;
	_ =	sdelay $0x1  }
0x128: {  	[tilespmem:v6+s28+$0x0] =	vst.idx.add.f32.msk $0xffff, v7  }
0x129: {  	v6 =	vld [tilespmem:$0x13E90];
	_ =	sdelay $0x4  }
0x12a: {  	v7 =	vshll.u32 v6, $0x2  }
0x12b: {  	v42 =	vand.u32 $0x7F, v6;
	v7 =	vand.u32 $0xFFFFFE00, v7  }
0x12c: {  	v7 =	vor.u32 v7, v42  }
0x12d: {  	v7 =	vor.u32 $0x80, v7;
	_ =	sdelay $0x3  }
0x12e: {  	v43 =	vld [tilespmem:$0x14290]  }
0x12f: {  	v7 =	vld.idx.msk [tilespmem:v7+s23+$0x0], $0xffff;
	_ =	sdelay $0x4  }
0x130: {  	v7 =	vmul.f32 v7, v43;
	_ =	sdelay $0x1  }
0x131: {  	[tilespmem:v6+s28+$0x0] =	vst.idx.add.f32.msk $0xffff, v7  }
0x132: {  	v6 =	vld [tilespmem:$0x13EA0];
	_ =	sdelay $0x4  }
0x133: {  	v7 =	vshll.u32 v6, $0x2  }
0x134: {  	v44 =	vand.u32 $0x7F, v6;
	v7 =	vand.u32 $0xFFFFFE00, v7  }
0x135: {  	v7 =	vor.u32 v7, v44  }
0x136: {  	v7 =	vor.u32 $0x80, v7;
	_ =	sdelay $0x3  }
0x137: {  	v45 =	vld [tilespmem:$0x142A0]  }
0x138: {  	v7 =	vld.idx.msk [tilespmem:v7+s23+$0x0], $0xffff;
	_ =	sdelay $0x4  }
0x139: {  	v7 =	vmul.f32 v7, v45;
	_ =	sdelay $0x1  }
0x13a: {  	[tilespmem:v6+s28+$0x0] =	vst.idx.add.f32.msk $0xffff, v7  }
0x13b: {  	v6 =	vld [tilespmem:$0x13EB0];
	_ =	sdelay $0x4  }
0x13c: {  	v7 =	vshll.u32 v6, $0x2  }
0x13d: {  	v46 =	vand.u32 $0x7F, v6;
	v7 =	vand.u32 $0xFFFFFE00, v7  }
0x13e: {  	v7 =	vor.u32 v7, v46  }
0x13f: {  	v7 =	vor.u32 $0x80, v7;
	_ =	sdelay $0x3  }
0x140: {  	v47 =	vld [tilespmem:$0x142B0]  }
0x141: {  	v7 =	vld.idx.msk [tilespmem:v7+s23+$0x0], $0xffff;
	_ =	sdelay $0x4  }
0x142: {  	v7 =	vmul.f32 v7, v47;
	_ =	sdelay $0x1  }
0x143: {  	[tilespmem:v6+s28+$0x0] =	vst.idx.add.f32.msk $0xffff, v7  }
0x144: {  	v6 =	vld [tilespmem:$0x13F00];
	_ =	sdelay $0x4  }
0x145: {  	v7 =	vshll.u32 v6, $0x2  }
0x146: {  	v48 =	vand.u32 $0x7F, v6;
	v7 =	vand.u32 $0xFFFFFE00, v7  }
0x147: {  	v7 =	vor.u32 v7, v48  }
0x148: {  	v7 =	vor.u32 $0x100, v7;
	_ =	sdelay $0x3  }
0x149: {  	v49 =	vld [tilespmem:$0x14300]  }
0x14a: {  	v7 =	vld.idx.msk [tilespmem:v7+s23+$0x0], $0xffff;
	_ =	sdelay $0x4  }
0x14b: {  	v7 =	vmul.f32 v7, v49;
	_ =	sdelay $0x1  }
0x14c: {  	[tilespmem:v6+s28+$0x0] =	vst.idx.add.f32.msk $0xffff, v7  }
0x14d: {  	v6 =	vld [tilespmem:$0x13F10];
	_ =	sdelay $0x4  }
0x14e: {  	v7 =	vshll.u32 v6, $0x2  }
0x14f: {  	v50 =	vand.u32 $0x7F, v6;
	v7 =	vand.u32 $0xFFFFFE00, v7  }
0x150: {  	v7 =	vor.u32 v7, v50  }
0x151: {  	v7 =	vor.u32 $0x100, v7;
	_ =	sdelay $0x3  }
0x152: {  	v51 =	vld [tilespmem:$0x14310]  }
0x153: {  	v7 =	vld.idx.msk [tilespmem:v7+s23+$0x0], $0xffff;
	_ =	sdelay $0x4  }
0x154: {  	v7 =	vmul.f32 v7, v51;
	_ =	sdelay $0x1  }
0x155: {  	[tilespmem:v6+s28+$0x0] =	vst.idx.add.f32.msk $0xffff, v7  }
0x156: {  	v6 =	vld [tilespmem:$0x13F20];
	_ =	sdelay $0x4  }
0x157: {  	v7 =	vshll.u32 v6, $0x2  }
0x158: {  	v52 =	vand.u32 $0x7F, v6;
	v7 =	vand.u32 $0xFFFFFE00, v7  }
0x159: {  	v7 =	vor.u32 v7, v52  }
0x15a: {  	v7 =	vor.u32 $0x100, v7;
	_ =	sdelay $0x3  }
0x15b: {  	v53 =	vld [tilespmem:$0x14320]  }
0x15c: {  	v7 =	vld.idx.msk [tilespmem:v7+s23+$0x0], $0xffff;
	_ =	sdelay $0x4  }
0x15d: {  	v7 =	vmul.f32 v7, v53;
	_ =	sdelay $0x1  }
0x15e: {  	[tilespmem:v6+s28+$0x0] =	vst.idx.add.f32.msk $0xffff, v7  }
0x15f: {  	v6 =	vld [tilespmem:$0x13F30];
	_ =	sdelay $0x4  }
0x160: {  	v7 =	vshll.u32 v6, $0x2  }
0x161: {  	v54 =	vand.u32 $0x7F, v6;
	v7 =	vand.u32 $0xFFFFFE00, v7  }
0x162: {  	v7 =	vor.u32 v7, v54  }
0x163: {  	v7 =	vor.u32 $0x100, v7;
	_ =	sdelay $0x3  }
0x164: {  	v55 =	vld [tilespmem:$0x14330]  }
0x165: {  	v7 =	vld.idx.msk [tilespmem:v7+s23+$0x0], $0xffff;
	_ =	sdelay $0x4  }
0x166: {  	v7 =	vmul.f32 v7, v55;
	_ =	sdelay $0x1  }
0x167: {  	[tilespmem:v6+s28+$0x0] =	vst.idx.add.f32.msk $0xffff, v7  }
0x168: {  	v6 =	vld [tilespmem:$0x13F80];
	_ =	sdelay $0x4  }
0x169: {  	v7 =	vshll.u32 v6, $0x2  }
0x16a: {  	v56 =	vand.u32 $0x7F, v6;
	v7 =	vand.u32 $0xFFFFFE00, v7  }
0x16b: {  	v7 =	vor.u32 v7, v56  }
0x16c: {  	v7 =	vor.u32 $0x180, v7;
	_ =	sdelay $0x3  }
0x16d: {  	v57 =	vld [tilespmem:$0x14380]  }
0x16e: {  	v7 =	vld.idx.msk [tilespmem:v7+s23+$0x0], $0xffff;
	_ =	sdelay $0x4  }
0x16f: {  	v7 =	vmul.f32 v7, v57;
	_ =	sdelay $0x1  }
0x170: {  	[tilespmem:v6+s28+$0x0] =	vst.idx.add.f32.msk $0xffff, v7  }
0x171: {  	v6 =	vld [tilespmem:$0x13F90];
	_ =	sdelay $0x4  }
0x172: {  	v7 =	vshll.u32 v6, $0x2  }
0x173: {  	v58 =	vand.u32 $0x7F, v6;
	v7 =	vand.u32 $0xFFFFFE00, v7  }
0x174: {  	v7 =	vor.u32 v7, v58  }
0x175: {  	v7 =	vor.u32 $0x180, v7;
	_ =	sdelay $0x3  }
0x176: {  	v59 =	vld [tilespmem:$0x14390]  }
0x177: {  	v7 =	vld.idx.msk [tilespmem:v7+s23+$0x0], $0xffff;
	_ =	sdelay $0x4  }
0x178: {  	v7 =	vmul.f32 v7, v59;
	_ =	sdelay $0x1  }
0x179: {  	[tilespmem:v6+s28+$0x0] =	vst.idx.add.f32.msk $0xffff, v7  }
0x17a: {  	v6 =	vld [tilespmem:$0x13FA0];
	_ =	sdelay $0x4  }
0x17b: {  	v7 =	vshll.u32 v6, $0x2  }
0x17c: {  	v60 =	vand.u32 $0x7F, v6;
	v7 =	vand.u32 $0xFFFFFE00, v7  }
0x17d: {  	v7 =	vor.u32 v7, v60  }
0x17e: {  	v7 =	vor.u32 $0x180, v7;
	_ =	sdelay $0x3  }
0x17f: {  	v61 =	vld [tilespmem:$0x143A0]  }
0x180: {  	v7 =	vld.idx.msk [tilespmem:v7+s23+$0x0], $0xffff;
	_ =	sdelay $0x4  }
0x181: {  	v7 =	vmul.f32 v7, v61;
	_ =	sdelay $0x1  }
0x182: {  	[tilespmem:v6+s28+$0x0] =	vst.idx.add.f32.msk $0xffff, v7  }
0x183: {  	v6 =	vld [tilespmem:$0x13FB0];
	_ =	sdelay $0x4  }
0x184: {  	v7 =	vshll.u32 v6, $0x2  }
0x185: {  	v62 =	vand.u32 $0x7F, v6;
	v7 =	vand.u32 $0xFFFFFE00, v7  }
0x186: {  	v7 =	vor.u32 v7, v62  }
0x187: {  	v7 =	vor.u32 $0x180, v7;
	_ =	sdelay $0x3  }
0x188: {  	v63 =	vld [tilespmem:$0x143B0]  }
0x189: {  	v7 =	vld.idx.msk [tilespmem:v7+s23+$0x0], $0xffff;
	_ =	sdelay $0x4  }
0x18a: {  	v7 =	vmul.f32 v7, v63  }
0x18b: {  	p1 =	sgt.u32 s31, $0x983  }
0x18c: {  	s8 =	simm.s32 @!p1 $0x200;
	s9 =	simm.s32 @!p1 $0x400;
	s10 =	simm.s32 @!p1 $0x9E00;
	[tilespmem:v6+s28+$0x0] =	vst.idx.add.f32.msk $0xffff, v7  }
0x18d: {  	[tilespmem:s10], [sflag:$0x2] =	stream.strided.gather @!p1 [hbm4b:s16+s8], $0x9E00, s9, s8, $0x38;
	[tilespmem:$0x16F00] =	vst v63  }
.Ltmp7:
0x18e: {  	_ = 	snop;
	(pc) =	sbr.rel .LBB2_8-.Ltmp7, $4  }
0x18f: {  	s8 =	simm.s32 @!p1 $0x0;
	s9 =	simm.s32 @!p1 $0x13E00  }
0x190: {  	[tilespmem:s9], [sflag:$0x2] =	stream.linear.gather @!p1 [hbm4b:s18+s8], $0x200, $0x38;
	[tilespmem:$0x16F00] =	vst v63  }
0x191: {  	s9 =	simm.s32 @!p1 $0x14200  }
0x192: {  	[tilespmem:s9], [sflag:$0x2] =	stream.linear.gather @!p1 [hbm4b:s17+s8], $0x200, $0x38;
	[tilespmem:$0x16F00] =	vst v63  }
.LBB2_10:
0x193: {  	_ =	sfence.sel $0x180000  }
0x194: {  	[bflag:$0x0] =	sbarrier.arrive $0xFFFF  }
0x195: {  	_ =	strace $0x90000047  }
0x196: {  	[bflag:$0x2] =	sbarrier.arrive $0xFFFF  }
0x197: {  	s0 =	rddreg [dreg:$0x3]  }
0x198: {  	s0 =	sadd.s32 @!p0 $0x100000, s0  }
0x199: {  	[sflag:s0] =	ssyncadd.tile.s32 @!p0 $0x1;
	_ =	shalt  }
.Lfunc_end2:
_tile_overlayer_lowered:
.L_overlay_start_2:
0x19a: {  	(tag) =	ssettag $0x2  }
0x19b: {  	s0 =	rddreg [dreg:$0x0];
	s2 =	stileid.u32  }
0x19c: {  	s1 =	rddreg [dreg:$0x1];
	p0 =	sne.s32 s2, $0x0  }
0x19d: {  	s3 =	rddreg [dreg:$0x2];
	[bflag:$0x3] =	sbarrier.arrive $0xFFFF;
	s2 =	simm.s32 @!p0 $0x1C03  }
0x19e: {  	[timem:s3], [sflag:s2] =	dma.local @!p0 [hbm:s0], s1  }
0x19f: {  	s0 =	simm.s32 @!p0 $0x3  }
0x1a0: {  	_ =	swait.ge @!p0 [sflag:s0], s1  }
0x1a1: {  	s1 =	ssub.s32 @!p0 $0x0, s1;
	[sflag:s0] =	ssyncset.done @!p0 $0x0  }
0x1a2: {  	[sflag:s0] =	ssyncadd.s32 @!p0 s1  }
0x1a3: {  	[bflag:$0x3] =	sbarrier.arrive $0xFFFF  }
0x1a4: {  	_ =	shalt  }

</sc_bundles>
